<compile_context>
chip_gen: v7x
topology: tpu7x:2x2x1
jax: 0.10.2.dev20260603
libtpu: 0.0.44.dev20260713+nightly
codegen_flags: <defaults>
</compile_context>

<pallas_src>
import functools

import jax
import jax.numpy as jnp
from jax import lax
from jax.experimental import pallas as pl
from jax.experimental.pallas import tpu as pltpu
from jax.experimental.pallas import tpu_sc as plsc

B = 16384
F = 32
MD = 128

_INFO = plsc.get_sparse_core_info()
NC, NS, L = _INFO.num_cores, _INFO.num_subcores, _INFO.num_lanes
NW = NC * NS
BPW = B // NW
CH = 128
NCHUNK = BPW // CH
CHG = 256
NBATCH = BPW // CHG


def _sc_gather(user, item, eug, eig, eum, eim):
    mesh = plsc.VectorSubcoreMesh(core_axis_name="c", subcore_axis_name="s")

    @functools.partial(
        pl.kernel,
        out_type=[
            jax.ShapeDtypeStruct((B, F), jnp.float32),
            jax.ShapeDtypeStruct((B, F), jnp.float32),
            jax.ShapeDtypeStruct((B, MD), jnp.float32),
            jax.ShapeDtypeStruct((B, MD), jnp.float32),
        ],
        mesh=mesh,
        compiler_params=pltpu.CompilerParams(needs_layout_passes=False),
        scratch_types=[
            pltpu.VMEM((BPW,), jnp.int32),
            pltpu.VMEM((BPW,), jnp.int32),
            pltpu.VMEM((CH, MD), jnp.float32),
            pltpu.VMEM((CH, MD), jnp.float32),
            pltpu.VMEM((CHG, F), jnp.float32),
            pltpu.VMEM((CHG, F), jnp.float32),
            pltpu.SemaphoreType.DMA,
            pltpu.SemaphoreType.DMA,
            pltpu.SemaphoreType.DMA,
            pltpu.SemaphoreType.DMA,
        ],
    )
    def k(user_hbm, item_hbm, eug_hbm, eig_hbm, eum_hbm, eim_hbm,
          gu_out, gi_out, mu_out, mi_out,
          idx_u, idx_i, mu_buf, mi_buf, gu_rows, gi_rows,
          sem0, sem1, sem2, sem3):
        wid = lax.axis_index("s") * NC + lax.axis_index("c")
        base = wid * BPW
        pltpu.sync_copy(user_hbm.at[pl.ds(base, BPW)], idx_u)
        pltpu.sync_copy(item_hbm.at[pl.ds(base, BPW)], idx_i)
        for c in range(NCHUNK):
            iu = idx_u.at[pl.ds(c * CH, CH)]
            ii = idx_i.at[pl.ds(c * CH, CH)]
            c0 = pltpu.async_copy(eum_hbm.at[iu], mu_buf, sem0)
            c1 = pltpu.async_copy(eim_hbm.at[ii], mi_buf, sem1)
            c0.wait(); c1.wait()
            row = base + c * CH
            pltpu.sync_copy(mu_buf, mu_out.at[pl.ds(row, CH)])
            pltpu.sync_copy(mi_buf, mi_out.at[pl.ds(row, CH)])
        lane = lax.iota(jnp.int32, L)
        zero = jnp.zeros((L,), jnp.int32)
        for hb in range(NBATCH):
            off = hb * CHG

            @pl.loop(0, CHG)
            def _issue(j):
                jm = lax.rem(j, L)
                jb = j - jm
                uvec = idx_u[pl.ds(off + jb, L)]
                ivec = idx_i[pl.ds(off + jb, L)]
                sel = lane == jnp.full((L,), jm, jnp.int32)
                u = lax.reduce_sum(jnp.where(sel, uvec, zero), axes=(0,))
                iv = lax.reduce_sum(jnp.where(sel, ivec, zero), axes=(0,))
                pltpu.async_copy(eug_hbm.at[pl.ds(u, 1)],
                                 gu_rows.at[pl.ds(j, 1)], sem2)
                pltpu.async_copy(eig_hbm.at[pl.ds(iv, 1)],
                                 gi_rows.at[pl.ds(j, 1)], sem3)

            @pl.loop(0, CHG)
            def _drain(j):
                pltpu.make_async_copy(eug_hbm.at[pl.ds(0, 1)],
                                      gu_rows.at[pl.ds(j, 1)], sem2).wait()
                pltpu.make_async_copy(eig_hbm.at[pl.ds(0, 1)],
                                      gi_rows.at[pl.ds(j, 1)], sem3).wait()

            pltpu.sync_copy(gu_rows, gu_out.at[pl.ds(base + off, CHG)])
            pltpu.sync_copy(gi_rows, gi_out.at[pl.ds(base + off, CHG)])

    return k(user, item, eug, eig, eum, eim)


_RB = 1024
_NBLK = B // _RB


def _tc_body(gu, gi, mu, mi, w1a, w1b, b1, w2, b2, w3, b3, wpg, wpm, bp, out):
    h = jnp.maximum(
        jnp.dot(mu[...], w1a[...], preferred_element_type=jnp.float32)
        + jnp.dot(mi[...], w1b[...], preferred_element_type=jnp.float32)
        + b1[...], 0.0)
    h = jnp.maximum(
        jnp.dot(h, w2[...], preferred_element_type=jnp.float32) + b2[...], 0.0)
    h = jnp.maximum(
        jnp.dot(h, w3[...], preferred_element_type=jnp.float32) + b3[...], 0.0)
    g = gu[...] * gi[...]
    pred = (jnp.sum(g * wpg[...], axis=1)
            + jnp.sum(h * wpm[...], axis=1) + bp[0, 0])
    out[...] = pred.reshape(_RB, 1)


def _tc_dense(gu, gi, mu, mi, W1, b1, W2, b2, W3, b3, Wp, bp):
    w1a = W1[:MD]
    w1b = W1[MD:]
    wpg = Wp[:F].reshape(1, F)
    wpm = Wp[F:].reshape(1, F)
    full = lambda shape: pl.BlockSpec(shape, lambda i: (0, 0))
    out = pl.pallas_call(
        _tc_body,
        grid=(_NBLK,),
        in_specs=[
            pl.BlockSpec((_RB, F), lambda i: (i, 0)),
            pl.BlockSpec((_RB, F), lambda i: (i, 0)),
            pl.BlockSpec((_RB, MD), lambda i: (i, 0)),
            pl.BlockSpec((_RB, MD), lambda i: (i, 0)),
            full((MD, MD)),
            full((MD, MD)),
            full((1, MD)),
            full((MD, 64)),
            full((1, 64)),
            full((64, F)),
            full((1, F)),
            full((1, F)),
            full((1, F)),
            full((1, 1)),
        ],
        out_specs=pl.BlockSpec((_RB, 1), lambda i: (i, 0)),
        out_shape=jax.ShapeDtypeStruct((B, 1), jnp.float32),
    )(gu, gi, mu, mi, w1a, w1b, b1.reshape(1, MD), W2, b2.reshape(1, 64),
      W3, b3.reshape(1, F), wpg, wpm, bp.reshape(1, 1))
    return out.reshape(-1)


def kernel(user, item, embed_user_GMF, embed_item_GMF, embed_user_MLP,
           embed_item_MLP, W1, b1, W2, b2, W3, b3, Wp, bp):
    user = user.astype(jnp.int32)
    item = item.astype(jnp.int32)
    gu, gi, mu, mi = _sc_gather(user, item, embed_user_GMF, embed_item_GMF,
                                embed_user_MLP, embed_item_MLP)
    return _tc_dense(gu, gi, mu, mi, W1, b1, W2, b2, W3, b3, Wp, bp)

# --- scband reference (transcript-rebuilt; emitter-appended) ---
"""Pipeline reference for scband-ncf-article-18339510354637 (READ-ONLY COPY).

The authoritative reference and input builder live on the scoring server;
editing this copy changes nothing except your own understanding.
"""

import jax, jax.numpy as jnp
import numpy as np

U = 1000000
I = 1000000
F = 32          # factor_num
NL = 3          # num_layers
MD = F * 2 ** (NL - 1)  # 128, MLP embedding dim
B = 16384


def _xavier(key, fan_in, fan_out):
    limit = float(np.sqrt(6.0 / (fan_in + fan_out)))
    return jax.random.uniform(key, (fan_in, fan_out), minval=-limit, maxval=limit, dtype=jnp.float32)


def setup_inputs(seed: int = 0) -> dict:
    key = jax.random.key(seed)
    ks = jax.random.split(key, 12)
    user = jax.random.randint(ks[0], (B,), 0, U, dtype=jnp.int64 if jax.config.read('jax_enable_x64') else jnp.int32)
    item = jax.random.randint(ks[1], (B,), 0, I, dtype=jnp.int64 if jax.config.read('jax_enable_x64') else jnp.int32)
    embed_user_GMF = jax.random.normal(ks[2], (U, F), dtype=jnp.float32) * 0.01
    embed_item_GMF = jax.random.normal(ks[3], (I, F), dtype=jnp.float32) * 0.01
    embed_user_MLP = jax.random.normal(ks[4], (U, MD), dtype=jnp.float32) * 0.01
    embed_item_MLP = jax.random.normal(ks[5], (I, MD), dtype=jnp.float32) * 0.01
    # MLP: layer i has input F*2^(NL-i), output half of that
    W1 = _xavier(ks[6], 256, 128); b1 = jnp.zeros((128,), jnp.float32)
    W2 = _xavier(ks[7], 128, 64);  b2 = jnp.zeros((64,), jnp.float32)
    W3 = _xavier(ks[8], 64, 32);   b3 = jnp.zeros((32,), jnp.float32)
    # predict layer: input F*2 = 64 for NeuMF
    Wp = _xavier(ks[9], 64, 1);    bp = jnp.zeros((1,), jnp.float32)
    return {
        'user': user, 'item': item,
        'embed_user_GMF': embed_user_GMF, 'embed_item_GMF': embed_item_GMF,
        'embed_user_MLP': embed_user_MLP, 'embed_item_MLP': embed_item_MLP,
        'W1': W1, 'b1': b1, 'W2': W2, 'b2': b2, 'W3': W3, 'b3': b3,
        'Wp': Wp, 'bp': bp,
    }


def reference(user, item, embed_user_GMF, embed_item_GMF, embed_user_MLP, embed_item_MLP,
              W1, b1, W2, b2, W3, b3, Wp, bp):
    # GMF branch
    gu = jnp.take(embed_user_GMF, user, axis=0)
    gi = jnp.take(embed_item_GMF, item, axis=0)
    output_GMF = gu * gi
    # MLP branch
    mu = jnp.take(embed_user_MLP, user, axis=0)
    mi = jnp.take(embed_item_MLP, item, axis=0)
    x = jnp.concatenate([mu, mi], axis=-1)
    x = jax.nn.relu(x @ W1 + b1)
    x = jax.nn.relu(x @ W2 + b2)
    x = jax.nn.relu(x @ W3 + b3)
    output_MLP = x
    concat = jnp.concatenate([output_GMF, output_MLP], axis=-1)
    prediction = concat @ Wp + bp
    return prediction.reshape(-1)

if __name__ == "__main__":
    import jax
    _d = setup_inputs()
    print(jax.jit(kernel)(*tuple(_d.values())))

</pallas_src>

<mosaic_0001>
#map = affine_map<(d0, d1) -> (0)>
#map1 = affine_map<(d0, d1) -> (0, 0)>
module attributes {stable_mosaic.version = 14 : i64} {
  func.func @k(%arg0: i32, %arg1: i32, %arg2: memref<16384xi32, #tpu.memory_space<hbm>>, %arg3: memref<16384xi32, #tpu.memory_space<hbm>>, %arg4: memref<1000000x32xf32, #tpu.memory_space<hbm>>, %arg5: memref<1000000x32xf32, #tpu.memory_space<hbm>>, %arg6: memref<1000000x128xf32, #tpu.memory_space<hbm>>, %arg7: memref<1000000x128xf32, #tpu.memory_space<hbm>>, %arg8: memref<16384x32xf32, #tpu.memory_space<hbm>>, %arg9: memref<16384x32xf32, #tpu.memory_space<hbm>>, %arg10: memref<16384x128xf32, #tpu.memory_space<hbm>>, %arg11: memref<16384x128xf32, #tpu.memory_space<hbm>>, %arg12: memref<512xi32, #tpu.memory_space<vmem>>, %arg13: memref<512xi32, #tpu.memory_space<vmem>>, %arg14: memref<128x128xf32, #tpu.memory_space<vmem>>, %arg15: memref<128x128xf32, #tpu.memory_space<vmem>>, %arg16: memref<256x32xf32, #tpu.memory_space<vmem>>, %arg17: memref<256x32xf32, #tpu.memory_space<vmem>>, %arg18: memref<!tpu.dma_semaphore, #tpu.memory_space<semaphore_mem>>, %arg19: memref<!tpu.dma_semaphore, #tpu.memory_space<semaphore_mem>>, %arg20: memref<!tpu.dma_semaphore, #tpu.memory_space<semaphore_mem>>, %arg21: memref<!tpu.dma_semaphore, #tpu.memory_space<semaphore_mem>>) attributes {dimension_semantics = [#tpu.dimension_semantics<core_parallel>, #tpu.dimension_semantics<subcore_parallel>], iteration_bounds = array<i64: 2, 16>, scalar_prefetch = 0 : i64, scratch_operands = 10 : i64, tpu.core_type = #tpu.core_type<sc_vector_subcore>, window_params = [{transform_indices = #map}, {transform_indices = #map}, {transform_indices = #map1}, {transform_indices = #map1}, {transform_indices = #map1}, {transform_indices = #map1}, {transform_indices = #map1}, {transform_indices = #map1}, {transform_indices = #map1}, {transform_indices = #map1}]} {
    %mul3A = arith.constant 2 : i32
    %mul3A_0 = arith.muli %arg1, %mul3A : i32
    %add3A = arith.addi %mul3A_0, %arg0 : i32
    %mul3A_1 = arith.constant 512 : i32
    %mul3A_2 = arith.muli %add3A, %mul3A_1 : i32
    "tpu.region"() ({
      %run_scoped3A = tpu.sem_alloc : memref<!tpu.dma_semaphore, #tpu.memory_space<semaphore_mem>>
      %dma_start3A_117 = tpu.memref_slice %arg2[%mul3A_2] : memref<16384xi32, #tpu.memory_space<hbm>> -> memref<512xi32, #tpu.memory_space<hbm>>
      %dma_start3A_118 = tpu.memref_slice %arg2[%mul3A_2] : memref<16384xi32, #tpu.memory_space<hbm>> -> memref<512xi32, #tpu.memory_space<hbm>>
      tpu.enqueue_dma source(%dma_start3A_118 : memref<512xi32, #tpu.memory_space<hbm>>) target(%arg12 : memref<512xi32, #tpu.memory_space<vmem>>) target_semaphore(%run_scoped3A : memref<!tpu.dma_semaphore, #tpu.memory_space<semaphore_mem>>)
      %dma_wait3A_119 = tpu.memref_slice %arg2[%mul3A_2] : memref<16384xi32, #tpu.memory_space<hbm>> -> memref<512xi32, #tpu.memory_space<hbm>>
      %dma_wait3A_120 = tpu.memref_slice %arg2[%mul3A_2] : memref<16384xi32, #tpu.memory_space<hbm>> -> memref<512xi32, #tpu.memory_space<hbm>>
      tpu.wait_dma2 semaphore(%run_scoped3A : memref<!tpu.dma_semaphore, #tpu.memory_space<semaphore_mem>>) src(%dma_wait3A_120 : memref<512xi32, #tpu.memory_space<hbm>>) dst(%arg12 : memref<512xi32, #tpu.memory_space<vmem>>)
      tpu.yield
    }) : () -> ()
    "tpu.region"() ({
      %run_scoped3A = tpu.sem_alloc : memref<!tpu.dma_semaphore, #tpu.memory_space<semaphore_mem>>
      %dma_start3A_117 = tpu.memref_slice %arg3[%mul3A_2] : memref<16384xi32, #tpu.memory_space<hbm>> -> memref<512xi32, #tpu.memory_space<hbm>>
      %dma_start3A_118 = tpu.memref_slice %arg3[%mul3A_2] : memref<16384xi32, #tpu.memory_space<hbm>> -> memref<512xi32, #tpu.memory_space<hbm>>
      tpu.enqueue_dma source(%dma_start3A_118 : memref<512xi32, #tpu.memory_space<hbm>>) target(%arg13 : memref<512xi32, #tpu.memory_space<vmem>>) target_semaphore(%run_scoped3A : memref<!tpu.dma_semaphore, #tpu.memory_space<semaphore_mem>>)
      %dma_wait3A_119 = tpu.memref_slice %arg3[%mul3A_2] : memref<16384xi32, #tpu.memory_space<hbm>> -> memref<512xi32, #tpu.memory_space<hbm>>
      %dma_wait3A_120 = tpu.memref_slice %arg3[%mul3A_2] : memref<16384xi32, #tpu.memory_space<hbm>> -> memref<512xi32, #tpu.memory_space<hbm>>
      tpu.wait_dma2 semaphore(%run_scoped3A : memref<!tpu.dma_semaphore, #tpu.memory_space<semaphore_mem>>) src(%dma_wait3A_120 : memref<512xi32, #tpu.memory_space<hbm>>) dst(%arg13 : memref<512xi32, #tpu.memory_space<vmem>>)
      tpu.yield
    }) : () -> ()
    %dma_start3A = arith.constant 0 : i32
    %dma_start3A_3 = tpu.memref_slice %arg12[%dma_start3A] : memref<512xi32, #tpu.memory_space<vmem>> -> memref<128xi32, #tpu.memory_space<vmem>>
    %dma_start3A_4 = arith.constant 0 : i32
    %dma_start3A_5 = arith.constant 0 : i32
    %dma_start3A_6 = tpu.memref_slice %arg6[%dma_start3A_4, %dma_start3A_5] : memref<1000000x128xf32, #tpu.memory_space<hbm>> -> memref<1000000x128xf32, #tpu.memory_space<hbm>>
    tpu.enqueue_indirect_dma source(%dma_start3A_6 : memref<1000000x128xf32, #tpu.memory_space<hbm>>) target(%arg14 : memref<128x128xf32, #tpu.memory_space<vmem>>) offsets(%dma_start3A_3 : memref<128xi32, #tpu.memory_space<vmem>>) semaphore(%arg18 : memref<!tpu.dma_semaphore, #tpu.memory_space<semaphore_mem>>)
    %dma_start3A_7 = arith.constant 0 : i32
    %dma_start3A_8 = tpu.memref_slice %arg13[%dma_start3A_7] : memref<512xi32, #tpu.memory_space<vmem>> -> memref<128xi32, #tpu.memory_space<vmem>>
    %dma_start3A_9 = arith.constant 0 : i32
    %dma_start3A_10 = arith.constant 0 : i32
    %dma_start3A_11 = tpu.memref_slice %arg7[%dma_start3A_9, %dma_start3A_10] : memref<1000000x128xf32, #tpu.memory_space<hbm>> -> memref<1000000x128xf32, #tpu.memory_space<hbm>>
    tpu.enqueue_indirect_dma source(%dma_start3A_11 : memref<1000000x128xf32, #tpu.memory_space<hbm>>) target(%arg15 : memref<128x128xf32, #tpu.memory_space<vmem>>) offsets(%dma_start3A_8 : memref<128xi32, #tpu.memory_space<vmem>>) semaphore(%arg19 : memref<!tpu.dma_semaphore, #tpu.memory_space<semaphore_mem>>)
    %dma_wait3A = arith.constant 0 : i32
    %dma_wait3A_12 = tpu.memref_slice %arg12[%dma_wait3A] : memref<512xi32, #tpu.memory_space<vmem>> -> memref<128xi32, #tpu.memory_space<vmem>>
    %dma_wait3A_13 = arith.constant 0 : i32
    %dma_wait3A_14 = arith.constant 0 : i32
    %dma_wait3A_15 = tpu.memref_slice %arg6[%dma_wait3A_13, %dma_wait3A_14] : memref<1000000x128xf32, #tpu.memory_space<hbm>> -> memref<1000000x128xf32, #tpu.memory_space<hbm>>
    tpu.wait_indirect_dma semaphore(%arg18 : memref<!tpu.dma_semaphore, #tpu.memory_space<semaphore_mem>>) src(%dma_wait3A_15 : memref<1000000x128xf32, #tpu.memory_space<hbm>>) dst(%arg14 : memref<128x128xf32, #tpu.memory_space<vmem>>)
    %dma_wait3A_16 = arith.constant 0 : i32
    %dma_wait3A_17 = tpu.memref_slice %arg13[%dma_wait3A_16] : memref<512xi32, #tpu.memory_space<vmem>> -> memref<128xi32, #tpu.memory_space<vmem>>
    %dma_wait3A_18 = arith.constant 0 : i32
    %dma_wait3A_19 = arith.constant 0 : i32
    %dma_wait3A_20 = tpu.memref_slice %arg7[%dma_wait3A_18, %dma_wait3A_19] : memref<1000000x128xf32, #tpu.memory_space<hbm>> -> memref<1000000x128xf32, #tpu.memory_space<hbm>>
    tpu.wait_indirect_dma semaphore(%arg19 : memref<!tpu.dma_semaphore, #tpu.memory_space<semaphore_mem>>) src(%dma_wait3A_20 : memref<1000000x128xf32, #tpu.memory_space<hbm>>) dst(%arg15 : memref<128x128xf32, #tpu.memory_space<vmem>>)
    %add3A_21 = arith.constant 0 : i32
    %add3A_22 = arith.addi %mul3A_2, %add3A_21 : i32
    "tpu.region"() ({
      %run_scoped3A = tpu.sem_alloc : memref<!tpu.dma_semaphore, #tpu.memory_space<semaphore_mem>>
      %dma_start3A_117 = arith.constant 0 : i32
      %dma_start3A_118 = tpu.memref_slice %arg10[%add3A_22, %dma_start3A_117] : memref<16384x128xf32, #tpu.memory_space<hbm>> -> memref<128x128xf32, #tpu.memory_space<hbm>>
      %dma_start3A_119 = arith.constant 0 : i32
      %dma_start3A_120 = tpu.memref_slice %arg10[%add3A_22, %dma_start3A_119] : memref<16384x128xf32, #tpu.memory_space<hbm>> -> memref<128x128xf32, #tpu.memory_space<hbm>>
      tpu.enqueue_dma source(%arg14 : memref<128x128xf32, #tpu.memory_space<vmem>>) target(%dma_start3A_120 : memref<128x128xf32, #tpu.memory_space<hbm>>) target_semaphore(%run_scoped3A : memref<!tpu.dma_semaphore, #tpu.memory_space<semaphore_mem>>)
      %dma_wait3A_121 = arith.constant 0 : i32
      %dma_wait3A_122 = tpu.memref_slice %arg10[%add3A_22, %dma_wait3A_121] : memref<16384x128xf32, #tpu.memory_space<hbm>> -> memref<128x128xf32, #tpu.memory_space<hbm>>
      %dma_wait3A_123 = arith.constant 0 : i32
      %dma_wait3A_124 = tpu.memref_slice %arg10[%add3A_22, %dma_wait3A_123] : memref<16384x128xf32, #tpu.memory_space<hbm>> -> memref<128x128xf32, #tpu.memory_space<hbm>>
      tpu.wait_dma2 semaphore(%run_scoped3A : memref<!tpu.dma_semaphore, #tpu.memory_space<semaphore_mem>>) src(%arg14 : memref<128x128xf32, #tpu.memory_space<vmem>>) dst(%dma_wait3A_124 : memref<128x128xf32, #tpu.memory_space<hbm>>)
      tpu.yield
    }) : () -> ()
    "tpu.region"() ({
      %run_scoped3A = tpu.sem_alloc : memref<!tpu.dma_semaphore, #tpu.memory_space<semaphore_mem>>
      %dma_start3A_117 = arith.constant 0 : i32
      %dma_start3A_118 = tpu.memref_slice %arg11[%add3A_22, %dma_start3A_117] : memref<16384x128xf32, #tpu.memory_space<hbm>> -> memref<128x128xf32, #tpu.memory_space<hbm>>
      %dma_start3A_119 = arith.constant 0 : i32
      %dma_start3A_120 = tpu.memref_slice %arg11[%add3A_22, %dma_start3A_119] : memref<16384x128xf32, #tpu.memory_space<hbm>> -> memref<128x128xf32, #tpu.memory_space<hbm>>
      tpu.enqueue_dma source(%arg15 : memref<128x128xf32, #tpu.memory_space<vmem>>) target(%dma_start3A_120 : memref<128x128xf32, #tpu.memory_space<hbm>>) target_semaphore(%run_scoped3A : memref<!tpu.dma_semaphore, #tpu.memory_space<semaphore_mem>>)
      %dma_wait3A_121 = arith.constant 0 : i32
      %dma_wait3A_122 = tpu.memref_slice %arg11[%add3A_22, %dma_wait3A_121] : memref<16384x128xf32, #tpu.memory_space<hbm>> -> memref<128x128xf32, #tpu.memory_space<hbm>>
      %dma_wait3A_123 = arith.constant 0 : i32
      %dma_wait3A_124 = tpu.memref_slice %arg11[%add3A_22, %dma_wait3A_123] : memref<16384x128xf32, #tpu.memory_space<hbm>> -> memref<128x128xf32, #tpu.memory_space<hbm>>
      tpu.wait_dma2 semaphore(%run_scoped3A : memref<!tpu.dma_semaphore, #tpu.memory_space<semaphore_mem>>) src(%arg15 : memref<128x128xf32, #tpu.memory_space<vmem>>) dst(%dma_wait3A_124 : memref<128x128xf32, #tpu.memory_space<hbm>>)
      tpu.yield
    }) : () -> ()
    %dma_start3A_23 = arith.constant 128 : i32
    %dma_start3A_24 = tpu.memref_slice %arg12[%dma_start3A_23] : memref<512xi32, #tpu.memory_space<vmem>> -> memref<128xi32, #tpu.memory_space<vmem>>
    %dma_start3A_25 = arith.constant 0 : i32
    %dma_start3A_26 = arith.constant 0 : i32
    %dma_start3A_27 = tpu.memref_slice %arg6[%dma_start3A_25, %dma_start3A_26] : memref<1000000x128xf32, #tpu.memory_space<hbm>> -> memref<1000000x128xf32, #tpu.memory_space<hbm>>
    tpu.enqueue_indirect_dma source(%dma_start3A_27 : memref<1000000x128xf32, #tpu.memory_space<hbm>>) target(%arg14 : memref<128x128xf32, #tpu.memory_space<vmem>>) offsets(%dma_start3A_24 : memref<128xi32, #tpu.memory_space<vmem>>) semaphore(%arg18 : memref<!tpu.dma_semaphore, #tpu.memory_space<semaphore_mem>>)
    %dma_start3A_28 = arith.constant 128 : i32
    %dma_start3A_29 = tpu.memref_slice %arg13[%dma_start3A_28] : memref<512xi32, #tpu.memory_space<vmem>> -> memref<128xi32, #tpu.memory_space<vmem>>
    %dma_start3A_30 = arith.constant 0 : i32
    %dma_start3A_31 = arith.constant 0 : i32
    %dma_start3A_32 = tpu.memref_slice %arg7[%dma_start3A_30, %dma_start3A_31] : memref<1000000x128xf32, #tpu.memory_space<hbm>> -> memref<1000000x128xf32, #tpu.memory_space<hbm>>
    tpu.enqueue_indirect_dma source(%dma_start3A_32 : memref<1000000x128xf32, #tpu.memory_space<hbm>>) target(%arg15 : memref<128x128xf32, #tpu.memory_space<vmem>>) offsets(%dma_start3A_29 : memref<128xi32, #tpu.memory_space<vmem>>) semaphore(%arg19 : memref<!tpu.dma_semaphore, #tpu.memory_space<semaphore_mem>>)
    %dma_wait3A_33 = arith.constant 128 : i32
    %dma_wait3A_34 = tpu.memref_slice %arg12[%dma_wait3A_33] : memref<512xi32, #tpu.memory_space<vmem>> -> memref<128xi32, #tpu.memory_space<vmem>>
    %dma_wait3A_35 = arith.constant 0 : i32
    %dma_wait3A_36 = arith.constant 0 : i32
    %dma_wait3A_37 = tpu.memref_slice %arg6[%dma_wait3A_35, %dma_wait3A_36] : memref<1000000x128xf32, #tpu.memory_space<hbm>> -> memref<1000000x128xf32, #tpu.memory_space<hbm>>
    tpu.wait_indirect_dma semaphore(%arg18 : memref<!tpu.dma_semaphore, #tpu.memory_space<semaphore_mem>>) src(%dma_wait3A_37 : memref<1000000x128xf32, #tpu.memory_space<hbm>>) dst(%arg14 : memref<128x128xf32, #tpu.memory_space<vmem>>)
    %dma_wait3A_38 = arith.constant 128 : i32
    %dma_wait3A_39 = tpu.memref_slice %arg13[%dma_wait3A_38] : memref<512xi32, #tpu.memory_space<vmem>> -> memref<128xi32, #tpu.memory_space<vmem>>
    %dma_wait3A_40 = arith.constant 0 : i32
    %dma_wait3A_41 = arith.constant 0 : i32
    %dma_wait3A_42 = tpu.memref_slice %arg7[%dma_wait3A_40, %dma_wait3A_41] : memref<1000000x128xf32, #tpu.memory_space<hbm>> -> memref<1000000x128xf32, #tpu.memory_space<hbm>>
    tpu.wait_indirect_dma semaphore(%arg19 : memref<!tpu.dma_semaphore, #tpu.memory_space<semaphore_mem>>) src(%dma_wait3A_42 : memref<1000000x128xf32, #tpu.memory_space<hbm>>) dst(%arg15 : memref<128x128xf32, #tpu.memory_space<vmem>>)
    %add3A_43 = arith.constant 128 : i32
    %add3A_44 = arith.addi %mul3A_2, %add3A_43 : i32
    "tpu.region"() ({
      %run_scoped3A = tpu.sem_alloc : memref<!tpu.dma_semaphore, #tpu.memory_space<semaphore_mem>>
      %dma_start3A_117 = arith.constant 0 : i32
      %dma_start3A_118 = tpu.memref_slice %arg10[%add3A_44, %dma_start3A_117] : memref<16384x128xf32, #tpu.memory_space<hbm>> -> memref<128x128xf32, #tpu.memory_space<hbm>>
      %dma_start3A_119 = arith.constant 0 : i32
      %dma_start3A_120 = tpu.memref_slice %arg10[%add3A_44, %dma_start3A_119] : memref<16384x128xf32, #tpu.memory_space<hbm>> -> memref<128x128xf32, #tpu.memory_space<hbm>>
      tpu.enqueue_dma source(%arg14 : memref<128x128xf32, #tpu.memory_space<vmem>>) target(%dma_start3A_120 : memref<128x128xf32, #tpu.memory_space<hbm>>) target_semaphore(%run_scoped3A : memref<!tpu.dma_semaphore, #tpu.memory_space<semaphore_mem>>)
      %dma_wait3A_121 = arith.constant 0 : i32
      %dma_wait3A_122 = tpu.memref_slice %arg10[%add3A_44, %dma_wait3A_121] : memref<16384x128xf32, #tpu.memory_space<hbm>> -> memref<128x128xf32, #tpu.memory_space<hbm>>
      %dma_wait3A_123 = arith.constant 0 : i32
      %dma_wait3A_124 = tpu.memref_slice %arg10[%add3A_44, %dma_wait3A_123] : memref<16384x128xf32, #tpu.memory_space<hbm>> -> memref<128x128xf32, #tpu.memory_space<hbm>>
      tpu.wait_dma2 semaphore(%run_scoped3A : memref<!tpu.dma_semaphore, #tpu.memory_space<semaphore_mem>>) src(%arg14 : memref<128x128xf32, #tpu.memory_space<vmem>>) dst(%dma_wait3A_124 : memref<128x128xf32, #tpu.memory_space<hbm>>)
      tpu.yield
    }) : () -> ()
    "tpu.region"() ({
      %run_scoped3A = tpu.sem_alloc : memref<!tpu.dma_semaphore, #tpu.memory_space<semaphore_mem>>
      %dma_start3A_117 = arith.constant 0 : i32
      %dma_start3A_118 = tpu.memref_slice %arg11[%add3A_44, %dma_start3A_117] : memref<16384x128xf32, #tpu.memory_space<hbm>> -> memref<128x128xf32, #tpu.memory_space<hbm>>
      %dma_start3A_119 = arith.constant 0 : i32
      %dma_start3A_120 = tpu.memref_slice %arg11[%add3A_44, %dma_start3A_119] : memref<16384x128xf32, #tpu.memory_space<hbm>> -> memref<128x128xf32, #tpu.memory_space<hbm>>
      tpu.enqueue_dma source(%arg15 : memref<128x128xf32, #tpu.memory_space<vmem>>) target(%dma_start3A_120 : memref<128x128xf32, #tpu.memory_space<hbm>>) target_semaphore(%run_scoped3A : memref<!tpu.dma_semaphore, #tpu.memory_space<semaphore_mem>>)
      %dma_wait3A_121 = arith.constant 0 : i32
      %dma_wait3A_122 = tpu.memref_slice %arg11[%add3A_44, %dma_wait3A_121] : memref<16384x128xf32, #tpu.memory_space<hbm>> -> memref<128x128xf32, #tpu.memory_space<hbm>>
      %dma_wait3A_123 = arith.constant 0 : i32
      %dma_wait3A_124 = tpu.memref_slice %arg11[%add3A_44, %dma_wait3A_123] : memref<16384x128xf32, #tpu.memory_space<hbm>> -> memref<128x128xf32, #tpu.memory_space<hbm>>
      tpu.wait_dma2 semaphore(%run_scoped3A : memref<!tpu.dma_semaphore, #tpu.memory_space<semaphore_mem>>) src(%arg15 : memref<128x128xf32, #tpu.memory_space<vmem>>) dst(%dma_wait3A_124 : memref<128x128xf32, #tpu.memory_space<hbm>>)
      tpu.yield
    }) : () -> ()
    %dma_start3A_45 = arith.constant 256 : i32
    %dma_start3A_46 = tpu.memref_slice %arg12[%dma_start3A_45] : memref<512xi32, #tpu.memory_space<vmem>> -> memref<128xi32, #tpu.memory_space<vmem>>
    %dma_start3A_47 = arith.constant 0 : i32
    %dma_start3A_48 = arith.constant 0 : i32
    %dma_start3A_49 = tpu.memref_slice %arg6[%dma_start3A_47, %dma_start3A_48] : memref<1000000x128xf32, #tpu.memory_space<hbm>> -> memref<1000000x128xf32, #tpu.memory_space<hbm>>
    tpu.enqueue_indirect_dma source(%dma_start3A_49 : memref<1000000x128xf32, #tpu.memory_space<hbm>>) target(%arg14 : memref<128x128xf32, #tpu.memory_space<vmem>>) offsets(%dma_start3A_46 : memref<128xi32, #tpu.memory_space<vmem>>) semaphore(%arg18 : memref<!tpu.dma_semaphore, #tpu.memory_space<semaphore_mem>>)
    %dma_start3A_50 = arith.constant 256 : i32
    %dma_start3A_51 = tpu.memref_slice %arg13[%dma_start3A_50] : memref<512xi32, #tpu.memory_space<vmem>> -> memref<128xi32, #tpu.memory_space<vmem>>
    %dma_start3A_52 = arith.constant 0 : i32
    %dma_start3A_53 = arith.constant 0 : i32
    %dma_start3A_54 = tpu.memref_slice %arg7[%dma_start3A_52, %dma_start3A_53] : memref<1000000x128xf32, #tpu.memory_space<hbm>> -> memref<1000000x128xf32, #tpu.memory_space<hbm>>
    tpu.enqueue_indirect_dma source(%dma_start3A_54 : memref<1000000x128xf32, #tpu.memory_space<hbm>>) target(%arg15 : memref<128x128xf32, #tpu.memory_space<vmem>>) offsets(%dma_start3A_51 : memref<128xi32, #tpu.memory_space<vmem>>) semaphore(%arg19 : memref<!tpu.dma_semaphore, #tpu.memory_space<semaphore_mem>>)
    %dma_wait3A_55 = arith.constant 256 : i32
    %dma_wait3A_56 = tpu.memref_slice %arg12[%dma_wait3A_55] : memref<512xi32, #tpu.memory_space<vmem>> -> memref<128xi32, #tpu.memory_space<vmem>>
    %dma_wait3A_57 = arith.constant 0 : i32
    %dma_wait3A_58 = arith.constant 0 : i32
    %dma_wait3A_59 = tpu.memref_slice %arg6[%dma_wait3A_57, %dma_wait3A_58] : memref<1000000x128xf32, #tpu.memory_space<hbm>> -> memref<1000000x128xf32, #tpu.memory_space<hbm>>
    tpu.wait_indirect_dma semaphore(%arg18 : memref<!tpu.dma_semaphore, #tpu.memory_space<semaphore_mem>>) src(%dma_wait3A_59 : memref<1000000x128xf32, #tpu.memory_space<hbm>>) dst(%arg14 : memref<128x128xf32, #tpu.memory_space<vmem>>)
    %dma_wait3A_60 = arith.constant 256 : i32
    %dma_wait3A_61 = tpu.memref_slice %arg13[%dma_wait3A_60] : memref<512xi32, #tpu.memory_space<vmem>> -> memref<128xi32, #tpu.memory_space<vmem>>
    %dma_wait3A_62 = arith.constant 0 : i32
    %dma_wait3A_63 = arith.constant 0 : i32
    %dma_wait3A_64 = tpu.memref_slice %arg7[%dma_wait3A_62, %dma_wait3A_63] : memref<1000000x128xf32, #tpu.memory_space<hbm>> -> memref<1000000x128xf32, #tpu.memory_space<hbm>>
    tpu.wait_indirect_dma semaphore(%arg19 : memref<!tpu.dma_semaphore, #tpu.memory_space<semaphore_mem>>) src(%dma_wait3A_64 : memref<1000000x128xf32, #tpu.memory_space<hbm>>) dst(%arg15 : memref<128x128xf32, #tpu.memory_space<vmem>>)
    %add3A_65 = arith.constant 256 : i32
    %add3A_66 = arith.addi %mul3A_2, %add3A_65 : i32
    "tpu.region"() ({
      %run_scoped3A = tpu.sem_alloc : memref<!tpu.dma_semaphore, #tpu.memory_space<semaphore_mem>>
      %dma_start3A_117 = arith.constant 0 : i32
      %dma_start3A_118 = tpu.memref_slice %arg10[%add3A_66, %dma_start3A_117] : memref<16384x128xf32, #tpu.memory_space<hbm>> -> memref<128x128xf32, #tpu.memory_space<hbm>>
      %dma_start3A_119 = arith.constant 0 : i32
      %dma_start3A_120 = tpu.memref_slice %arg10[%add3A_66, %dma_start3A_119] : memref<16384x128xf32, #tpu.memory_space<hbm>> -> memref<128x128xf32, #tpu.memory_space<hbm>>
      tpu.enqueue_dma source(%arg14 : memref<128x128xf32, #tpu.memory_space<vmem>>) target(%dma_start3A_120 : memref<128x128xf32, #tpu.memory_space<hbm>>) target_semaphore(%run_scoped3A : memref<!tpu.dma_semaphore, #tpu.memory_space<semaphore_mem>>)
      %dma_wait3A_121 = arith.constant 0 : i32
      %dma_wait3A_122 = tpu.memref_slice %arg10[%add3A_66, %dma_wait3A_121] : memref<16384x128xf32, #tpu.memory_space<hbm>> -> memref<128x128xf32, #tpu.memory_space<hbm>>
      %dma_wait3A_123 = arith.constant 0 : i32
      %dma_wait3A_124 = tpu.memref_slice %arg10[%add3A_66, %dma_wait3A_123] : memref<16384x128xf32, #tpu.memory_space<hbm>> -> memref<128x128xf32, #tpu.memory_space<hbm>>
      tpu.wait_dma2 semaphore(%run_scoped3A : memref<!tpu.dma_semaphore, #tpu.memory_space<semaphore_mem>>) src(%arg14 : memref<128x128xf32, #tpu.memory_space<vmem>>) dst(%dma_wait3A_124 : memref<128x128xf32, #tpu.memory_space<hbm>>)
      tpu.yield
    }) : () -> ()
    "tpu.region"() ({
      %run_scoped3A = tpu.sem_alloc : memref<!tpu.dma_semaphore, #tpu.memory_space<semaphore_mem>>
      %dma_start3A_117 = arith.constant 0 : i32
      %dma_start3A_118 = tpu.memref_slice %arg11[%add3A_66, %dma_start3A_117] : memref<16384x128xf32, #tpu.memory_space<hbm>> -> memref<128x128xf32, #tpu.memory_space<hbm>>
      %dma_start3A_119 = arith.constant 0 : i32
      %dma_start3A_120 = tpu.memref_slice %arg11[%add3A_66, %dma_start3A_119] : memref<16384x128xf32, #tpu.memory_space<hbm>> -> memref<128x128xf32, #tpu.memory_space<hbm>>
      tpu.enqueue_dma source(%arg15 : memref<128x128xf32, #tpu.memory_space<vmem>>) target(%dma_start3A_120 : memref<128x128xf32, #tpu.memory_space<hbm>>) target_semaphore(%run_scoped3A : memref<!tpu.dma_semaphore, #tpu.memory_space<semaphore_mem>>)
      %dma_wait3A_121 = arith.constant 0 : i32
      %dma_wait3A_122 = tpu.memref_slice %arg11[%add3A_66, %dma_wait3A_121] : memref<16384x128xf32, #tpu.memory_space<hbm>> -> memref<128x128xf32, #tpu.memory_space<hbm>>
      %dma_wait3A_123 = arith.constant 0 : i32
      %dma_wait3A_124 = tpu.memref_slice %arg11[%add3A_66, %dma_wait3A_123] : memref<16384x128xf32, #tpu.memory_space<hbm>> -> memref<128x128xf32, #tpu.memory_space<hbm>>
      tpu.wait_dma2 semaphore(%run_scoped3A : memref<!tpu.dma_semaphore, #tpu.memory_space<semaphore_mem>>) src(%arg15 : memref<128x128xf32, #tpu.memory_space<vmem>>) dst(%dma_wait3A_124 : memref<128x128xf32, #tpu.memory_space<hbm>>)
      tpu.yield
    }) : () -> ()
    %dma_start3A_67 = arith.constant 384 : i32
    %dma_start3A_68 = tpu.memref_slice %arg12[%dma_start3A_67] : memref<512xi32, #tpu.memory_space<vmem>> -> memref<128xi32, #tpu.memory_space<vmem>>
    %dma_start3A_69 = arith.constant 0 : i32
    %dma_start3A_70 = arith.constant 0 : i32
    %dma_start3A_71 = tpu.memref_slice %arg6[%dma_start3A_69, %dma_start3A_70] : memref<1000000x128xf32, #tpu.memory_space<hbm>> -> memref<1000000x128xf32, #tpu.memory_space<hbm>>
    tpu.enqueue_indirect_dma source(%dma_start3A_71 : memref<1000000x128xf32, #tpu.memory_space<hbm>>) target(%arg14 : memref<128x128xf32, #tpu.memory_space<vmem>>) offsets(%dma_start3A_68 : memref<128xi32, #tpu.memory_space<vmem>>) semaphore(%arg18 : memref<!tpu.dma_semaphore, #tpu.memory_space<semaphore_mem>>)
    %dma_start3A_72 = arith.constant 384 : i32
    %dma_start3A_73 = tpu.memref_slice %arg13[%dma_start3A_72] : memref<512xi32, #tpu.memory_space<vmem>> -> memref<128xi32, #tpu.memory_space<vmem>>
    %dma_start3A_74 = arith.constant 0 : i32
    %dma_start3A_75 = arith.constant 0 : i32
    %dma_start3A_76 = tpu.memref_slice %arg7[%dma_start3A_74, %dma_start3A_75] : memref<1000000x128xf32, #tpu.memory_space<hbm>> -> memref<1000000x128xf32, #tpu.memory_space<hbm>>
    tpu.enqueue_indirect_dma source(%dma_start3A_76 : memref<1000000x128xf32, #tpu.memory_space<hbm>>) target(%arg15 : memref<128x128xf32, #tpu.memory_space<vmem>>) offsets(%dma_start3A_73 : memref<128xi32, #tpu.memory_space<vmem>>) semaphore(%arg19 : memref<!tpu.dma_semaphore, #tpu.memory_space<semaphore_mem>>)
    %dma_wait3A_77 = arith.constant 384 : i32
    %dma_wait3A_78 = tpu.memref_slice %arg12[%dma_wait3A_77] : memref<512xi32, #tpu.memory_space<vmem>> -> memref<128xi32, #tpu.memory_space<vmem>>
    %dma_wait3A_79 = arith.constant 0 : i32
    %dma_wait3A_80 = arith.constant 0 : i32
    %dma_wait3A_81 = tpu.memref_slice %arg6[%dma_wait3A_79, %dma_wait3A_80] : memref<1000000x128xf32, #tpu.memory_space<hbm>> -> memref<1000000x128xf32, #tpu.memory_space<hbm>>
    tpu.wait_indirect_dma semaphore(%arg18 : memref<!tpu.dma_semaphore, #tpu.memory_space<semaphore_mem>>) src(%dma_wait3A_81 : memref<1000000x128xf32, #tpu.memory_space<hbm>>) dst(%arg14 : memref<128x128xf32, #tpu.memory_space<vmem>>)
    %dma_wait3A_82 = arith.constant 384 : i32
    %dma_wait3A_83 = tpu.memref_slice %arg13[%dma_wait3A_82] : memref<512xi32, #tpu.memory_space<vmem>> -> memref<128xi32, #tpu.memory_space<vmem>>
    %dma_wait3A_84 = arith.constant 0 : i32
    %dma_wait3A_85 = arith.constant 0 : i32
    %dma_wait3A_86 = tpu.memref_slice %arg7[%dma_wait3A_84, %dma_wait3A_85] : memref<1000000x128xf32, #tpu.memory_space<hbm>> -> memref<1000000x128xf32, #tpu.memory_space<hbm>>
    tpu.wait_indirect_dma semaphore(%arg19 : memref<!tpu.dma_semaphore, #tpu.memory_space<semaphore_mem>>) src(%dma_wait3A_86 : memref<1000000x128xf32, #tpu.memory_space<hbm>>) dst(%arg15 : memref<128x128xf32, #tpu.memory_space<vmem>>)
    %add3A_87 = arith.constant 384 : i32
    %add3A_88 = arith.addi %mul3A_2, %add3A_87 : i32
    "tpu.region"() ({
      %run_scoped3A = tpu.sem_alloc : memref<!tpu.dma_semaphore, #tpu.memory_space<semaphore_mem>>
      %dma_start3A_117 = arith.constant 0 : i32
      %dma_start3A_118 = tpu.memref_slice %arg10[%add3A_88, %dma_start3A_117] : memref<16384x128xf32, #tpu.memory_space<hbm>> -> memref<128x128xf32, #tpu.memory_space<hbm>>
      %dma_start3A_119 = arith.constant 0 : i32
      %dma_start3A_120 = tpu.memref_slice %arg10[%add3A_88, %dma_start3A_119] : memref<16384x128xf32, #tpu.memory_space<hbm>> -> memref<128x128xf32, #tpu.memory_space<hbm>>
      tpu.enqueue_dma source(%arg14 : memref<128x128xf32, #tpu.memory_space<vmem>>) target(%dma_start3A_120 : memref<128x128xf32, #tpu.memory_space<hbm>>) target_semaphore(%run_scoped3A : memref<!tpu.dma_semaphore, #tpu.memory_space<semaphore_mem>>)
      %dma_wait3A_121 = arith.constant 0 : i32
      %dma_wait3A_122 = tpu.memref_slice %arg10[%add3A_88, %dma_wait3A_121] : memref<16384x128xf32, #tpu.memory_space<hbm>> -> memref<128x128xf32, #tpu.memory_space<hbm>>
      %dma_wait3A_123 = arith.constant 0 : i32
      %dma_wait3A_124 = tpu.memref_slice %arg10[%add3A_88, %dma_wait3A_123] : memref<16384x128xf32, #tpu.memory_space<hbm>> -> memref<128x128xf32, #tpu.memory_space<hbm>>
      tpu.wait_dma2 semaphore(%run_scoped3A : memref<!tpu.dma_semaphore, #tpu.memory_space<semaphore_mem>>) src(%arg14 : memref<128x128xf32, #tpu.memory_space<vmem>>) dst(%dma_wait3A_124 : memref<128x128xf32, #tpu.memory_space<hbm>>)
      tpu.yield
    }) : () -> ()
    "tpu.region"() ({
      %run_scoped3A = tpu.sem_alloc : memref<!tpu.dma_semaphore, #tpu.memory_space<semaphore_mem>>
      %dma_start3A_117 = arith.constant 0 : i32
      %dma_start3A_118 = tpu.memref_slice %arg11[%add3A_88, %dma_start3A_117] : memref<16384x128xf32, #tpu.memory_space<hbm>> -> memref<128x128xf32, #tpu.memory_space<hbm>>
      %dma_start3A_119 = arith.constant 0 : i32
      %dma_start3A_120 = tpu.memref_slice %arg11[%add3A_88, %dma_start3A_119] : memref<16384x128xf32, #tpu.memory_space<hbm>> -> memref<128x128xf32, #tpu.memory_space<hbm>>
      tpu.enqueue_dma source(%arg15 : memref<128x128xf32, #tpu.memory_space<vmem>>) target(%dma_start3A_120 : memref<128x128xf32, #tpu.memory_space<hbm>>) target_semaphore(%run_scoped3A : memref<!tpu.dma_semaphore, #tpu.memory_space<semaphore_mem>>)
      %dma_wait3A_121 = arith.constant 0 : i32
      %dma_wait3A_122 = tpu.memref_slice %arg11[%add3A_88, %dma_wait3A_121] : memref<16384x128xf32, #tpu.memory_space<hbm>> -> memref<128x128xf32, #tpu.memory_space<hbm>>
      %dma_wait3A_123 = arith.constant 0 : i32
      %dma_wait3A_124 = tpu.memref_slice %arg11[%add3A_88, %dma_wait3A_123] : memref<16384x128xf32, #tpu.memory_space<hbm>> -> memref<128x128xf32, #tpu.memory_space<hbm>>
      tpu.wait_dma2 semaphore(%run_scoped3A : memref<!tpu.dma_semaphore, #tpu.memory_space<semaphore_mem>>) src(%arg15 : memref<128x128xf32, #tpu.memory_space<vmem>>) dst(%dma_wait3A_124 : memref<128x128xf32, #tpu.memory_space<hbm>>)
      tpu.yield
    }) : () -> ()
    %iota3A = tpu.iota {dimensions = array<i32: 0>} : vector<16xi32>
    %broadcast_in_dim3A = arith.constant 0 : i32
    %broadcast_in_dim3A_89 = vector.broadcast %broadcast_in_dim3A : i32 to vector<16xi32>
    %scan3A = arith.constant 0 : i32
    %scan3A_90 = arith.constant 256 : i32
    %scan3A_91 = arith.addi %scan3A, %scan3A_90 : i32
    %scan3A_92 = arith.constant 1 : i32
    scf.for %scan3A_117 = %scan3A to %scan3A_91 step %scan3A_92  : i32 {
      %mul3A_118 = arith.constant 1 : i32
      %mul3A_119 = arith.muli %scan3A_117, %mul3A_118 : i32
      %add3A_120 = arith.constant 0 : i32
      %add3A_121 = arith.addi %add3A_120, %mul3A_119 : i32
      %rem3A = arith.constant 16 : i32
      %rem3A_122 = arith.remsi %add3A_121, %rem3A : i32
      %sub3A = arith.subi %add3A_121, %rem3A_122 : i32
      %add3A_123 = arith.constant 0 : i32
      %add3A_124 = arith.addi %add3A_123, %sub3A : i32
      %get3A = arith.index_cast %add3A_124 : i32 to index
      %get3A_125 = tpu.vector_load %arg12[%get3A] {strides = array<i32>} : memref<512xi32, #tpu.memory_space<vmem>>, vector<16xi32>,
      %add3A_126 = arith.constant 0 : i32
      %add3A_127 = arith.addi %add3A_126, %sub3A : i32
      %get3A_128 = arith.index_cast %add3A_127 : i32 to index
      %get3A_129 = tpu.vector_load %arg13[%get3A_128] {strides = array<i32>} : memref<512xi32, #tpu.memory_space<vmem>>, vector<16xi32>,
      %broadcast_in_dim3A_130 = vector.broadcast %rem3A_122 : i32 to vector<16xi32>
      %eq3A = arith.cmpi eq, %iota3A, %broadcast_in_dim3A_130 : vector<16xi32>
      %select_n3A = arith.select %eq3A, %get3A_125, %broadcast_in_dim3A_89 : vector<16xi1>, vector<16xi32>
      %reduce_sum3A = arith.constant true
      %reduce_sum3A_131 = vector.broadcast %reduce_sum3A : i1 to vector<16xi1>
      %reduce_sum3A_132 = tpu.scan <sum>, %select_n3A masked %reduce_sum3A_131 : vector<16xi32>, vector<16xi1> -> vector<16xi32>
      %reduce_sum3A_133 = vector.extract %reduce_sum3A_132[15] : i32 from vector<16xi32>
      %select_n3A_134 = arith.select %eq3A, %get3A_129, %broadcast_in_dim3A_89 : vector<16xi1>, vector<16xi32>
      %reduce_sum3A_135 = arith.constant true
      %reduce_sum3A_136 = vector.broadcast %reduce_sum3A_135 : i1 to vector<16xi1>
      %reduce_sum3A_137 = tpu.scan <sum>, %select_n3A_134 masked %reduce_sum3A_136 : vector<16xi32>, vector<16xi1> -> vector<16xi32>
      %reduce_sum3A_138 = vector.extract %reduce_sum3A_137[15] : i32 from vector<16xi32>
      %dma_start3A_139 = arith.constant 0 : i32
      %dma_start3A_140 = tpu.memref_slice %arg16[%add3A_121, %dma_start3A_139] : memref<256x32xf32, #tpu.memory_space<vmem>> -> memref<1x32xf32, #tpu.memory_space<vmem>>
      %dma_start3A_141 = arith.constant 0 : i32
      %dma_start3A_142 = tpu.memref_slice %arg4[%reduce_sum3A_133, %dma_start3A_141] : memref<1000000x32xf32, #tpu.memory_space<hbm>> -> memref<1x32xf32, #tpu.memory_space<hbm>>
      %dma_start3A_143 = arith.constant 0 : i32
      %dma_start3A_144 = tpu.memref_slice %arg16[%add3A_121, %dma_start3A_143] : memref<256x32xf32, #tpu.memory_space<vmem>> -> memref<1x32xf32, #tpu.memory_space<vmem>>
      %dma_start3A_145 = arith.constant 0 : i32
      %dma_start3A_146 = tpu.memref_slice %arg4[%reduce_sum3A_133, %dma_start3A_145] : memref<1000000x32xf32, #tpu.memory_space<hbm>> -> memref<1x32xf32, #tpu.memory_space<hbm>>
      tpu.enqueue_dma source(%dma_start3A_146 : memref<1x32xf32, #tpu.memory_space<hbm>>) target(%dma_start3A_144 : memref<1x32xf32, #tpu.memory_space<vmem>>) target_semaphore(%arg20 : memref<!tpu.dma_semaphore, #tpu.memory_space<semaphore_mem>>)
      %dma_start3A_147 = arith.constant 0 : i32
      %dma_start3A_148 = tpu.memref_slice %arg17[%add3A_121, %dma_start3A_147] : memref<256x32xf32, #tpu.memory_space<vmem>> -> memref<1x32xf32, #tpu.memory_space<vmem>>
      %dma_start3A_149 = arith.constant 0 : i32
      %dma_start3A_150 = tpu.memref_slice %arg5[%reduce_sum3A_138, %dma_start3A_149] : memref<1000000x32xf32, #tpu.memory_space<hbm>> -> memref<1x32xf32, #tpu.memory_space<hbm>>
      %dma_start3A_151 = arith.constant 0 : i32
      %dma_start3A_152 = tpu.memref_slice %arg17[%add3A_121, %dma_start3A_151] : memref<256x32xf32, #tpu.memory_space<vmem>> -> memref<1x32xf32, #tpu.memory_space<vmem>>
      %dma_start3A_153 = arith.constant 0 : i32
      %dma_start3A_154 = tpu.memref_slice %arg5[%reduce_sum3A_138, %dma_start3A_153] : memref<1000000x32xf32, #tpu.memory_space<hbm>> -> memref<1x32xf32, #tpu.memory_space<hbm>>
      tpu.enqueue_dma source(%dma_start3A_154 : memref<1x32xf32, #tpu.memory_space<hbm>>) target(%dma_start3A_152 : memref<1x32xf32, #tpu.memory_space<vmem>>) target_semaphore(%arg21 : memref<!tpu.dma_semaphore, #tpu.memory_space<semaphore_mem>>)
    }
    %scan3A_93 = arith.constant 256 : i32
    %scan3A_94 = arith.constant 0 : i32
    %scan3A_95 = arith.constant 256 : i32
    %scan3A_96 = arith.addi %scan3A_94, %scan3A_95 : i32
    %scan3A_97 = arith.constant 1 : i32
    scf.for %scan3A_117 = %scan3A_94 to %scan3A_96 step %scan3A_97  : i32 {
      %mul3A_118 = arith.constant 1 : i32
      %mul3A_119 = arith.muli %scan3A_117, %mul3A_118 : i32
      %add3A_120 = arith.constant 0 : i32
      %add3A_121 = arith.addi %add3A_120, %mul3A_119 : i32
      %dma_wait3A_122 = arith.constant 0 : i32
      %dma_wait3A_123 = tpu.memref_slice %arg16[%add3A_121, %dma_wait3A_122] : memref<256x32xf32, #tpu.memory_space<vmem>> -> memref<1x32xf32, #tpu.memory_space<vmem>>
      %dma_wait3A_124 = arith.constant 0 : i32
      %dma_wait3A_125 = arith.constant 0 : i32
      %dma_wait3A_126 = tpu.memref_slice %arg4[%dma_wait3A_124, %dma_wait3A_125] : memref<1000000x32xf32, #tpu.memory_space<hbm>> -> memref<1x32xf32, #tpu.memory_space<hbm>>
      %dma_wait3A_127 = arith.constant 0 : i32
      %dma_wait3A_128 = tpu.memref_slice %arg16[%add3A_121, %dma_wait3A_127] : memref<256x32xf32, #tpu.memory_space<vmem>> -> memref<1x32xf32, #tpu.memory_space<vmem>>
      %dma_wait3A_129 = arith.constant 0 : i32
      %dma_wait3A_130 = arith.constant 0 : i32
      %dma_wait3A_131 = tpu.memref_slice %arg4[%dma_wait3A_129, %dma_wait3A_130] : memref<1000000x32xf32, #tpu.memory_space<hbm>> -> memref<1x32xf32, #tpu.memory_space<hbm>>
      tpu.wait_dma2 semaphore(%arg20 : memref<!tpu.dma_semaphore, #tpu.memory_space<semaphore_mem>>) src(%dma_wait3A_131 : memref<1x32xf32, #tpu.memory_space<hbm>>) dst(%dma_wait3A_128 : memref<1x32xf32, #tpu.memory_space<vmem>>)
      %dma_wait3A_132 = arith.constant 0 : i32
      %dma_wait3A_133 = tpu.memref_slice %arg17[%add3A_121, %dma_wait3A_132] : memref<256x32xf32, #tpu.memory_space<vmem>> -> memref<1x32xf32, #tpu.memory_space<vmem>>
      %dma_wait3A_134 = arith.constant 0 : i32
      %dma_wait3A_135 = arith.constant 0 : i32
      %dma_wait3A_136 = tpu.memref_slice %arg5[%dma_wait3A_134, %dma_wait3A_135] : memref<1000000x32xf32, #tpu.memory_space<hbm>> -> memref<1x32xf32, #tpu.memory_space<hbm>>
      %dma_wait3A_137 = arith.constant 0 : i32
      %dma_wait3A_138 = tpu.memref_slice %arg17[%add3A_121, %dma_wait3A_137] : memref<256x32xf32, #tpu.memory_space<vmem>> -> memref<1x32xf32, #tpu.memory_space<vmem>>
      %dma_wait3A_139 = arith.constant 0 : i32
      %dma_wait3A_140 = arith.constant 0 : i32
      %dma_wait3A_141 = tpu.memref_slice %arg5[%dma_wait3A_139, %dma_wait3A_140] : memref<1000000x32xf32, #tpu.memory_space<hbm>> -> memref<1x32xf32, #tpu.memory_space<hbm>>
      tpu.wait_dma2 semaphore(%arg21 : memref<!tpu.dma_semaphore, #tpu.memory_space<semaphore_mem>>) src(%dma_wait3A_141 : memref<1x32xf32, #tpu.memory_space<hbm>>) dst(%dma_wait3A_138 : memref<1x32xf32, #tpu.memory_space<vmem>>)
    }
    %scan3A_98 = arith.constant 256 : i32
    %add3A_99 = arith.constant 0 : i32
    %add3A_100 = arith.addi %mul3A_2, %add3A_99 : i32
    "tpu.region"() ({
      %run_scoped3A = tpu.sem_alloc : memref<!tpu.dma_semaphore, #tpu.memory_space<semaphore_mem>>
      %dma_start3A_117 = arith.constant 0 : i32
      %dma_start3A_118 = tpu.memref_slice %arg8[%add3A_100, %dma_start3A_117] : memref<16384x32xf32, #tpu.memory_space<hbm>> -> memref<256x32xf32, #tpu.memory_space<hbm>>
      %dma_start3A_119 = arith.constant 0 : i32
      %dma_start3A_120 = tpu.memref_slice %arg8[%add3A_100, %dma_start3A_119] : memref<16384x32xf32, #tpu.memory_space<hbm>> -> memref<256x32xf32, #tpu.memory_space<hbm>>
      tpu.enqueue_dma source(%arg16 : memref<256x32xf32, #tpu.memory_space<vmem>>) target(%dma_start3A_120 : memref<256x32xf32, #tpu.memory_space<hbm>>) target_semaphore(%run_scoped3A : memref<!tpu.dma_semaphore, #tpu.memory_space<semaphore_mem>>)
      %dma_wait3A_121 = arith.constant 0 : i32
      %dma_wait3A_122 = tpu.memref_slice %arg8[%add3A_100, %dma_wait3A_121] : memref<16384x32xf32, #tpu.memory_space<hbm>> -> memref<256x32xf32, #tpu.memory_space<hbm>>
      %dma_wait3A_123 = arith.constant 0 : i32
      %dma_wait3A_124 = tpu.memref_slice %arg8[%add3A_100, %dma_wait3A_123] : memref<16384x32xf32, #tpu.memory_space<hbm>> -> memref<256x32xf32, #tpu.memory_space<hbm>>
      tpu.wait_dma2 semaphore(%run_scoped3A : memref<!tpu.dma_semaphore, #tpu.memory_space<semaphore_mem>>) src(%arg16 : memref<256x32xf32, #tpu.memory_space<vmem>>) dst(%dma_wait3A_124 : memref<256x32xf32, #tpu.memory_space<hbm>>)
      tpu.yield
    }) : () -> ()
    %add3A_101 = arith.constant 0 : i32
    %add3A_102 = arith.addi %mul3A_2, %add3A_101 : i32
    "tpu.region"() ({
      %run_scoped3A = tpu.sem_alloc : memref<!tpu.dma_semaphore, #tpu.memory_space<semaphore_mem>>
      %dma_start3A_117 = arith.constant 0 : i32
      %dma_start3A_118 = tpu.memref_slice %arg9[%add3A_102, %dma_start3A_117] : memref<16384x32xf32, #tpu.memory_space<hbm>> -> memref<256x32xf32, #tpu.memory_space<hbm>>
      %dma_start3A_119 = arith.constant 0 : i32
      %dma_start3A_120 = tpu.memref_slice %arg9[%add3A_102, %dma_start3A_119] : memref<16384x32xf32, #tpu.memory_space<hbm>> -> memref<256x32xf32, #tpu.memory_space<hbm>>
      tpu.enqueue_dma source(%arg17 : memref<256x32xf32, #tpu.memory_space<vmem>>) target(%dma_start3A_120 : memref<256x32xf32, #tpu.memory_space<hbm>>) target_semaphore(%run_scoped3A : memref<!tpu.dma_semaphore, #tpu.memory_space<semaphore_mem>>)
      %dma_wait3A_121 = arith.constant 0 : i32
      %dma_wait3A_122 = tpu.memref_slice %arg9[%add3A_102, %dma_wait3A_121] : memref<16384x32xf32, #tpu.memory_space<hbm>> -> memref<256x32xf32, #tpu.memory_space<hbm>>
      %dma_wait3A_123 = arith.constant 0 : i32
      %dma_wait3A_124 = tpu.memref_slice %arg9[%add3A_102, %dma_wait3A_123] : memref<16384x32xf32, #tpu.memory_space<hbm>> -> memref<256x32xf32, #tpu.memory_space<hbm>>
      tpu.wait_dma2 semaphore(%run_scoped3A : memref<!tpu.dma_semaphore, #tpu.memory_space<semaphore_mem>>) src(%arg17 : memref<256x32xf32, #tpu.memory_space<vmem>>) dst(%dma_wait3A_124 : memref<256x32xf32, #tpu.memory_space<hbm>>)
      tpu.yield
    }) : () -> ()
    %scan3A_103 = arith.constant 0 : i32
    %scan3A_104 = arith.constant 256 : i32
    %scan3A_105 = arith.addi %scan3A_103, %scan3A_104 : i32
    %scan3A_106 = arith.constant 1 : i32
    scf.for %scan3A_117 = %scan3A_103 to %scan3A_105 step %scan3A_106  : i32 {
      %mul3A_118 = arith.constant 1 : i32
      %mul3A_119 = arith.muli %scan3A_117, %mul3A_118 : i32
      %add3A_120 = arith.constant 0 : i32
      %add3A_121 = arith.addi %add3A_120, %mul3A_119 : i32
      %rem3A = arith.constant 16 : i32
      %rem3A_122 = arith.remsi %add3A_121, %rem3A : i32
      %sub3A = arith.subi %add3A_121, %rem3A_122 : i32
      %add3A_123 = arith.constant 256 : i32
      %add3A_124 = arith.addi %add3A_123, %sub3A : i32
      %get3A = arith.index_cast %add3A_124 : i32 to index
      %get3A_125 = tpu.vector_load %arg12[%get3A] {strides = array<i32>} : memref<512xi32, #tpu.memory_space<vmem>>, vector<16xi32>,
      %add3A_126 = arith.constant 256 : i32
      %add3A_127 = arith.addi %add3A_126, %sub3A : i32
      %get3A_128 = arith.index_cast %add3A_127 : i32 to index
      %get3A_129 = tpu.vector_load %arg13[%get3A_128] {strides = array<i32>} : memref<512xi32, #tpu.memory_space<vmem>>, vector<16xi32>,
      %broadcast_in_dim3A_130 = vector.broadcast %rem3A_122 : i32 to vector<16xi32>
      %eq3A = arith.cmpi eq, %iota3A, %broadcast_in_dim3A_130 : vector<16xi32>
      %select_n3A = arith.select %eq3A, %get3A_125, %broadcast_in_dim3A_89 : vector<16xi1>, vector<16xi32>
      %reduce_sum3A = arith.constant true
      %reduce_sum3A_131 = vector.broadcast %reduce_sum3A : i1 to vector<16xi1>
      %reduce_sum3A_132 = tpu.scan <sum>, %select_n3A masked %reduce_sum3A_131 : vector<16xi32>, vector<16xi1> -> vector<16xi32>
      %reduce_sum3A_133 = vector.extract %reduce_sum3A_132[15] : i32 from vector<16xi32>
      %select_n3A_134 = arith.select %eq3A, %get3A_129, %broadcast_in_dim3A_89 : vector<16xi1>, vector<16xi32>
      %reduce_sum3A_135 = arith.constant true
      %reduce_sum3A_136 = vector.broadcast %reduce_sum3A_135 : i1 to vector<16xi1>
      %reduce_sum3A_137 = tpu.scan <sum>, %select_n3A_134 masked %reduce_sum3A_136 : vector<16xi32>, vector<16xi1> -> vector<16xi32>
      %reduce_sum3A_138 = vector.extract %reduce_sum3A_137[15] : i32 from vector<16xi32>
      %dma_start3A_139 = arith.constant 0 : i32
      %dma_start3A_140 = tpu.memref_slice %arg16[%add3A_121, %dma_start3A_139] : memref<256x32xf32, #tpu.memory_space<vmem>> -> memref<1x32xf32, #tpu.memory_space<vmem>>
      %dma_start3A_141 = arith.constant 0 : i32
      %dma_start3A_142 = tpu.memref_slice %arg4[%reduce_sum3A_133, %dma_start3A_141] : memref<1000000x32xf32, #tpu.memory_space<hbm>> -> memref<1x32xf32, #tpu.memory_space<hbm>>
      %dma_start3A_143 = arith.constant 0 : i32
      %dma_start3A_144 = tpu.memref_slice %arg16[%add3A_121, %dma_start3A_143] : memref<256x32xf32, #tpu.memory_space<vmem>> -> memref<1x32xf32, #tpu.memory_space<vmem>>
      %dma_start3A_145 = arith.constant 0 : i32
      %dma_start3A_146 = tpu.memref_slice %arg4[%reduce_sum3A_133, %dma_start3A_145] : memref<1000000x32xf32, #tpu.memory_space<hbm>> -> memref<1x32xf32, #tpu.memory_space<hbm>>
      tpu.enqueue_dma source(%dma_start3A_146 : memref<1x32xf32, #tpu.memory_space<hbm>>) target(%dma_start3A_144 : memref<1x32xf32, #tpu.memory_space<vmem>>) target_semaphore(%arg20 : memref<!tpu.dma_semaphore, #tpu.memory_space<semaphore_mem>>)
      %dma_start3A_147 = arith.constant 0 : i32
      %dma_start3A_148 = tpu.memref_slice %arg17[%add3A_121, %dma_start3A_147] : memref<256x32xf32, #tpu.memory_space<vmem>> -> memref<1x32xf32, #tpu.memory_space<vmem>>
      %dma_start3A_149 = arith.constant 0 : i32
      %dma_start3A_150 = tpu.memref_slice %arg5[%reduce_sum3A_138, %dma_start3A_149] : memref<1000000x32xf32, #tpu.memory_space<hbm>> -> memref<1x32xf32, #tpu.memory_space<hbm>>
      %dma_start3A_151 = arith.constant 0 : i32
      %dma_start3A_152 = tpu.memref_slice %arg17[%add3A_121, %dma_start3A_151] : memref<256x32xf32, #tpu.memory_space<vmem>> -> memref<1x32xf32, #tpu.memory_space<vmem>>
      %dma_start3A_153 = arith.constant 0 : i32
      %dma_start3A_154 = tpu.memref_slice %arg5[%reduce_sum3A_138, %dma_start3A_153] : memref<1000000x32xf32, #tpu.memory_space<hbm>> -> memref<1x32xf32, #tpu.memory_space<hbm>>
      tpu.enqueue_dma source(%dma_start3A_154 : memref<1x32xf32, #tpu.memory_space<hbm>>) target(%dma_start3A_152 : memref<1x32xf32, #tpu.memory_space<vmem>>) target_semaphore(%arg21 : memref<!tpu.dma_semaphore, #tpu.memory_space<semaphore_mem>>)
    }
    %scan3A_107 = arith.constant 256 : i32
    %scan3A_108 = arith.constant 0 : i32
    %scan3A_109 = arith.constant 256 : i32
    %scan3A_110 = arith.addi %scan3A_108, %scan3A_109 : i32
    %scan3A_111 = arith.constant 1 : i32
    scf.for %scan3A_117 = %scan3A_108 to %scan3A_110 step %scan3A_111  : i32 {
      %mul3A_118 = arith.constant 1 : i32
      %mul3A_119 = arith.muli %scan3A_117, %mul3A_118 : i32
      %add3A_120 = arith.constant 0 : i32
      %add3A_121 = arith.addi %add3A_120, %mul3A_119 : i32
      %dma_wait3A_122 = arith.constant 0 : i32
      %dma_wait3A_123 = tpu.memref_slice %arg16[%add3A_121, %dma_wait3A_122] : memref<256x32xf32, #tpu.memory_space<vmem>> -> memref<1x32xf32, #tpu.memory_space<vmem>>
      %dma_wait3A_124 = arith.constant 0 : i32
      %dma_wait3A_125 = arith.constant 0 : i32
      %dma_wait3A_126 = tpu.memref_slice %arg4[%dma_wait3A_124, %dma_wait3A_125] : memref<1000000x32xf32, #tpu.memory_space<hbm>> -> memref<1x32xf32, #tpu.memory_space<hbm>>
      %dma_wait3A_127 = arith.constant 0 : i32
      %dma_wait3A_128 = tpu.memref_slice %arg16[%add3A_121, %dma_wait3A_127] : memref<256x32xf32, #tpu.memory_space<vmem>> -> memref<1x32xf32, #tpu.memory_space<vmem>>
      %dma_wait3A_129 = arith.constant 0 : i32
      %dma_wait3A_130 = arith.constant 0 : i32
      %dma_wait3A_131 = tpu.memref_slice %arg4[%dma_wait3A_129, %dma_wait3A_130] : memref<1000000x32xf32, #tpu.memory_space<hbm>> -> memref<1x32xf32, #tpu.memory_space<hbm>>
      tpu.wait_dma2 semaphore(%arg20 : memref<!tpu.dma_semaphore, #tpu.memory_space<semaphore_mem>>) src(%dma_wait3A_131 : memref<1x32xf32, #tpu.memory_space<hbm>>) dst(%dma_wait3A_128 : memref<1x32xf32, #tpu.memory_space<vmem>>)
      %dma_wait3A_132 = arith.constant 0 : i32
      %dma_wait3A_133 = tpu.memref_slice %arg17[%add3A_121, %dma_wait3A_132] : memref<256x32xf32, #tpu.memory_space<vmem>> -> memref<1x32xf32, #tpu.memory_space<vmem>>
      %dma_wait3A_134 = arith.constant 0 : i32
      %dma_wait3A_135 = arith.constant 0 : i32
      %dma_wait3A_136 = tpu.memref_slice %arg5[%dma_wait3A_134, %dma_wait3A_135] : memref<1000000x32xf32, #tpu.memory_space<hbm>> -> memref<1x32xf32, #tpu.memory_space<hbm>>
      %dma_wait3A_137 = arith.constant 0 : i32
      %dma_wait3A_138 = tpu.memref_slice %arg17[%add3A_121, %dma_wait3A_137] : memref<256x32xf32, #tpu.memory_space<vmem>> -> memref<1x32xf32, #tpu.memory_space<vmem>>
      %dma_wait3A_139 = arith.constant 0 : i32
      %dma_wait3A_140 = arith.constant 0 : i32
      %dma_wait3A_141 = tpu.memref_slice %arg5[%dma_wait3A_139, %dma_wait3A_140] : memref<1000000x32xf32, #tpu.memory_space<hbm>> -> memref<1x32xf32, #tpu.memory_space<hbm>>
      tpu.wait_dma2 semaphore(%arg21 : memref<!tpu.dma_semaphore, #tpu.memory_space<semaphore_mem>>) src(%dma_wait3A_141 : memref<1x32xf32, #tpu.memory_space<hbm>>) dst(%dma_wait3A_138 : memref<1x32xf32, #tpu.memory_space<vmem>>)
    }
    %scan3A_112 = arith.constant 256 : i32
    %add3A_113 = arith.constant 256 : i32
    %add3A_114 = arith.addi %mul3A_2, %add3A_113 : i32
    "tpu.region"() ({
      %run_scoped3A = tpu.sem_alloc : memref<!tpu.dma_semaphore, #tpu.memory_space<semaphore_mem>>
      %dma_start3A_117 = arith.constant 0 : i32
      %dma_start3A_118 = tpu.memref_slice %arg8[%add3A_114, %dma_start3A_117] : memref<16384x32xf32, #tpu.memory_space<hbm>> -> memref<256x32xf32, #tpu.memory_space<hbm>>
      %dma_start3A_119 = arith.constant 0 : i32
      %dma_start3A_120 = tpu.memref_slice %arg8[%add3A_114, %dma_start3A_119] : memref<16384x32xf32, #tpu.memory_space<hbm>> -> memref<256x32xf32, #tpu.memory_space<hbm>>
      tpu.enqueue_dma source(%arg16 : memref<256x32xf32, #tpu.memory_space<vmem>>) target(%dma_start3A_120 : memref<256x32xf32, #tpu.memory_space<hbm>>) target_semaphore(%run_scoped3A : memref<!tpu.dma_semaphore, #tpu.memory_space<semaphore_mem>>)
      %dma_wait3A_121 = arith.constant 0 : i32
      %dma_wait3A_122 = tpu.memref_slice %arg8[%add3A_114, %dma_wait3A_121] : memref<16384x32xf32, #tpu.memory_space<hbm>> -> memref<256x32xf32, #tpu.memory_space<hbm>>
      %dma_wait3A_123 = arith.constant 0 : i32
      %dma_wait3A_124 = tpu.memref_slice %arg8[%add3A_114, %dma_wait3A_123] : memref<16384x32xf32, #tpu.memory_space<hbm>> -> memref<256x32xf32, #tpu.memory_space<hbm>>
      tpu.wait_dma2 semaphore(%run_scoped3A : memref<!tpu.dma_semaphore, #tpu.memory_space<semaphore_mem>>) src(%arg16 : memref<256x32xf32, #tpu.memory_space<vmem>>) dst(%dma_wait3A_124 : memref<256x32xf32, #tpu.memory_space<hbm>>)
      tpu.yield
    }) : () -> ()
    %add3A_115 = arith.constant 256 : i32
    %add3A_116 = arith.addi %mul3A_2, %add3A_115 : i32
    "tpu.region"() ({
      %run_scoped3A = tpu.sem_alloc : memref<!tpu.dma_semaphore, #tpu.memory_space<semaphore_mem>>
      %dma_start3A_117 = arith.constant 0 : i32
      %dma_start3A_118 = tpu.memref_slice %arg9[%add3A_116, %dma_start3A_117] : memref<16384x32xf32, #tpu.memory_space<hbm>> -> memref<256x32xf32, #tpu.memory_space<hbm>>
      %dma_start3A_119 = arith.constant 0 : i32
      %dma_start3A_120 = tpu.memref_slice %arg9[%add3A_116, %dma_start3A_119] : memref<16384x32xf32, #tpu.memory_space<hbm>> -> memref<256x32xf32, #tpu.memory_space<hbm>>
      tpu.enqueue_dma source(%arg17 : memref<256x32xf32, #tpu.memory_space<vmem>>) target(%dma_start3A_120 : memref<256x32xf32, #tpu.memory_space<hbm>>) target_semaphore(%run_scoped3A : memref<!tpu.dma_semaphore, #tpu.memory_space<semaphore_mem>>)
      %dma_wait3A_121 = arith.constant 0 : i32
      %dma_wait3A_122 = tpu.memref_slice %arg9[%add3A_116, %dma_wait3A_121] : memref<16384x32xf32, #tpu.memory_space<hbm>> -> memref<256x32xf32, #tpu.memory_space<hbm>>
      %dma_wait3A_123 = arith.constant 0 : i32
      %dma_wait3A_124 = tpu.memref_slice %arg9[%add3A_116, %dma_wait3A_123] : memref<16384x32xf32, #tpu.memory_space<hbm>> -> memref<256x32xf32, #tpu.memory_space<hbm>>
      tpu.wait_dma2 semaphore(%run_scoped3A : memref<!tpu.dma_semaphore, #tpu.memory_space<semaphore_mem>>) src(%arg17 : memref<256x32xf32, #tpu.memory_space<vmem>>) dst(%dma_wait3A_124 : memref<256x32xf32, #tpu.memory_space<hbm>>)
      tpu.yield
    }) : () -> ()
    return
  }
}

module attributes {stable_mosaic.version = 14 : i64} {
  func.func @_tc_body(%arg0: i32, %arg1: memref<1024x32xf32, #tpu.memory_space<vmem>>, %arg2: memref<1024x32xf32, #tpu.memory_space<vmem>>, %arg3: memref<1024x128xf32, #tpu.memory_space<vmem>>, %arg4: memref<1024x128xf32, #tpu.memory_space<vmem>>, %arg5: memref<128x128xf32, #tpu.memory_space<vmem>>, %arg6: memref<128x128xf32, #tpu.memory_space<vmem>>, %arg7: memref<1x128xf32, #tpu.memory_space<vmem>>, %arg8: memref<128x64xf32, #tpu.memory_space<vmem>>, %arg9: memref<1x64xf32, #tpu.memory_space<vmem>>, %arg10: memref<64x32xf32, #tpu.memory_space<vmem>>, %arg11: memref<1x32xf32, #tpu.memory_space<vmem>>, %arg12: memref<1x32xf32, #tpu.memory_space<vmem>>, %arg13: memref<1x32xf32, #tpu.memory_space<vmem>>, %arg14: memref<1x1xf32, #tpu.memory_space<vmem>>, %arg15: memref<1024x1xf32, #tpu.memory_space<vmem>>) attributes {dimension_semantics = [#tpu.dimension_semantics<arbitrary>], iteration_bounds = array<i64: 16>, scalar_prefetch = 0 : i64, scratch_operands = 0 : i64, tpu.core_type = #tpu.core_type<tc>, window_params = [{transform_indices = @transform_0, window_bounds = array<i64: 1024, 32>}, {transform_indices = @transform_1, window_bounds = array<i64: 1024, 32>}, {transform_indices = @transform_2, window_bounds = array<i64: 1024, 128>}, {transform_indices = @transform_3, window_bounds = array<i64: 1024, 128>}, {pipeline_mode = #tpu.pipeline_mode<synchronous>, transform_indices = @transform_4, window_bounds = array<i64: 128, 128>}, {pipeline_mode = #tpu.pipeline_mode<synchronous>, transform_indices = @transform_5, window_bounds = array<i64: 128, 128>}, {pipeline_mode = #tpu.pipeline_mode<synchronous>, transform_indices = @transform_6, window_bounds = array<i64: 1, 128>}, {pipeline_mode = #tpu.pipeline_mode<synchronous>, transform_indices = @transform_7, window_bounds = array<i64: 128, 64>}, {pipeline_mode = #tpu.pipeline_mode<synchronous>, transform_indices = @transform_8, window_bounds = array<i64: 1, 64>}, {pipeline_mode = #tpu.pipeline_mode<synchronous>, transform_indices = @transform_9, window_bounds = array<i64: 64, 32>}, {pipeline_mode = #tpu.pipeline_mode<synchronous>, transform_indices = @transform_10, window_bounds = array<i64: 1, 32>}, {pipeline_mode = #tpu.pipeline_mode<synchronous>, transform_indices = @transform_11, window_bounds = array<i64: 1, 32>}, {pipeline_mode = #tpu.pipeline_mode<synchronous>, transform_indices = @transform_12, window_bounds = array<i64: 1, 32>}, {pipeline_mode = #tpu.pipeline_mode<synchronous>, transform_indices = @transform_13, window_bounds = array<i64: 1, 1>}, {transform_indices = @transform_14, window_bounds = array<i64: 1024, 1>}]} {
    %get3A = arith.constant 0 : index
    %get3A_0 = arith.constant 0 : index
    %get3A_1 = vector.load %arg3[%get3A, %get3A_0] : memref<1024x128xf32, #tpu.memory_space<vmem>>, vector<1024x128xf32>
    %get3A_2 = arith.constant 0 : index
    %get3A_3 = arith.constant 0 : index
    %get3A_4 = vector.load %arg5[%get3A_2, %get3A_3] : memref<128x128xf32, #tpu.memory_space<vmem>>, vector<128x128xf32>
    %dot_general3A = arith.constant dense<0.000000e+00> : vector<1024x128xf32>
    %dot_general3A_5 = tpu.matmul %get3A_1, %get3A_4, %dot_general3A {dimension_numbers = #tpu.dot_dimension_numbers<[1], [0], [0], [1], [0, 0, 1, 1], [], []>, transpose_lhs_hint = false} : vector<1024x128xf32>, vector<128x128xf32>, vector<1024x128xf32> -> vector<1024x128xf32>
    %get3A_6 = arith.constant 0 : index
    %get3A_7 = arith.constant 0 : index
    %get3A_8 = vector.load %arg4[%get3A_6, %get3A_7] : memref<1024x128xf32, #tpu.memory_space<vmem>>, vector<1024x128xf32>
    %get3A_9 = arith.constant 0 : index
    %get3A_10 = arith.constant 0 : index
    %get3A_11 = vector.load %arg6[%get3A_9, %get3A_10] : memref<128x128xf32, #tpu.memory_space<vmem>>, vector<128x128xf32>
    %dot_general3A_12 = arith.constant dense<0.000000e+00> : vector<1024x128xf32>
    %dot_general3A_13 = tpu.matmul %get3A_8, %get3A_11, %dot_general3A_12 {dimension_numbers = #tpu.dot_dimension_numbers<[1], [0], [0], [1], [0, 0, 1, 1], [], []>, transpose_lhs_hint = false} : vector<1024x128xf32>, vector<128x128xf32>, vector<1024x128xf32> -> vector<1024x128xf32>
    %add3A = arith.addf %dot_general3A_5, %dot_general3A_13 : vector<1024x128xf32>
    %get3A_14 = arith.constant 0 : index
    %get3A_15 = arith.constant 0 : index
    %get3A_16 = vector.load %arg7[%get3A_14, %get3A_15] : memref<1x128xf32, #tpu.memory_space<vmem>>, vector<1x128xf32>
    %add3A_17 = vector.broadcast %get3A_16 : vector<1x128xf32> to vector<1024x128xf32>
    %add3A_18 = arith.addf %add3A, %add3A_17 : vector<1024x128xf32>
    %max3A = arith.constant 0.000000e+00 : f32
    %max3A_19 = vector.broadcast %max3A : f32 to vector<1024x128xf32>
    %max3A_20 = arith.maximumf %add3A_18, %max3A_19 : vector<1024x128xf32>
    %get3A_21 = arith.constant 0 : index
    %get3A_22 = arith.constant 0 : index
    %get3A_23 = vector.load %arg8[%get3A_21, %get3A_22] : memref<128x64xf32, #tpu.memory_space<vmem>>, vector<128x64xf32>
    %dot_general3A_24 = arith.constant dense<0.000000e+00> : vector<1024x64xf32>
    %dot_general3A_25 = tpu.matmul %max3A_20, %get3A_23, %dot_general3A_24 {dimension_numbers = #tpu.dot_dimension_numbers<[1], [0], [0], [1], [0, 0, 1, 1], [], []>, transpose_lhs_hint = false} : vector<1024x128xf32>, vector<128x64xf32>, vector<1024x64xf32> -> vector<1024x64xf32>
    %get3A_26 = arith.constant 0 : index
    %get3A_27 = arith.constant 0 : index
    %get3A_28 = vector.load %arg9[%get3A_26, %get3A_27] : memref<1x64xf32, #tpu.memory_space<vmem>>, vector<1x64xf32>
    %add3A_29 = vector.broadcast %get3A_28 : vector<1x64xf32> to vector<1024x64xf32>
    %add3A_30 = arith.addf %dot_general3A_25, %add3A_29 : vector<1024x64xf32>
    %max3A_31 = arith.constant 0.000000e+00 : f32
    %max3A_32 = vector.broadcast %max3A_31 : f32 to vector<1024x64xf32>
    %max3A_33 = arith.maximumf %add3A_30, %max3A_32 : vector<1024x64xf32>
    %get3A_34 = arith.constant 0 : index
    %get3A_35 = arith.constant 0 : index
    %get3A_36 = vector.load %arg10[%get3A_34, %get3A_35] : memref<64x32xf32, #tpu.memory_space<vmem>>, vector<64x32xf32>
    %dot_general3A_37 = arith.constant dense<0.000000e+00> : vector<1024x32xf32>
    %dot_general3A_38 = tpu.matmul %max3A_33, %get3A_36, %dot_general3A_37 {dimension_numbers = #tpu.dot_dimension_numbers<[1], [0], [0], [1], [0, 0, 1, 1], [], []>, transpose_lhs_hint = false} : vector<1024x64xf32>, vector<64x32xf32>, vector<1024x32xf32> -> vector<1024x32xf32>
    %get3A_39 = arith.constant 0 : index
    %get3A_40 = arith.constant 0 : index
    %get3A_41 = vector.load %arg11[%get3A_39, %get3A_40] : memref<1x32xf32, #tpu.memory_space<vmem>>, vector<1x32xf32>
    %add3A_42 = vector.broadcast %get3A_41 : vector<1x32xf32> to vector<1024x32xf32>
    %add3A_43 = arith.addf %dot_general3A_38, %add3A_42 : vector<1024x32xf32>
    %max3A_44 = arith.constant 0.000000e+00 : f32
    %max3A_45 = vector.broadcast %max3A_44 : f32 to vector<1024x32xf32>
    %max3A_46 = arith.maximumf %add3A_43, %max3A_45 : vector<1024x32xf32>
    %get3A_47 = arith.constant 0 : index
    %get3A_48 = arith.constant 0 : index
    %get3A_49 = vector.load %arg1[%get3A_47, %get3A_48] : memref<1024x32xf32, #tpu.memory_space<vmem>>, vector<1024x32xf32>
    %get3A_50 = arith.constant 0 : index
    %get3A_51 = arith.constant 0 : index
    %get3A_52 = vector.load %arg2[%get3A_50, %get3A_51] : memref<1024x32xf32, #tpu.memory_space<vmem>>, vector<1024x32xf32>
    %mul3A = arith.mulf %get3A_49, %get3A_52 : vector<1024x32xf32>
    %get3A_53 = arith.constant 0 : index
    %get3A_54 = arith.constant 0 : index
    %get3A_55 = vector.load %arg12[%get3A_53, %get3A_54] : memref<1x32xf32, #tpu.memory_space<vmem>>, vector<1x32xf32>
    %mul3A_56 = vector.broadcast %get3A_55 : vector<1x32xf32> to vector<1024x32xf32>
    %mul3A_57 = arith.mulf %mul3A, %mul3A_56 : vector<1024x32xf32>
    %reduce_sum3A = arith.constant dense<0.000000e+00> : vector<1024xf32>
    %reduce_sum3A_58 = vector.multi_reduction <add>, %mul3A_57, %reduce_sum3A [1] : vector<1024x32xf32> to vector<1024xf32>
    %get3A_59 = arith.constant 0 : index
    %get3A_60 = arith.constant 0 : index
    %get3A_61 = vector.load %arg13[%get3A_59, %get3A_60] : memref<1x32xf32, #tpu.memory_space<vmem>>, vector<1x32xf32>
    %mul3A_62 = vector.broadcast %get3A_61 : vector<1x32xf32> to vector<1024x32xf32>
    %mul3A_63 = arith.mulf %max3A_46, %mul3A_62 : vector<1024x32xf32>
    %reduce_sum3A_64 = arith.constant dense<0.000000e+00> : vector<1024xf32>
    %reduce_sum3A_65 = vector.multi_reduction <add>, %mul3A_63, %reduce_sum3A_64 [1] : vector<1024x32xf32> to vector<1024xf32>
    %add3A_66 = arith.addf %reduce_sum3A_58, %reduce_sum3A_65 : vector<1024xf32>
    %get3A_67 = arith.constant 0 : index
    %get3A_68 = arith.constant 0 : index
    %get3A_69 = vector.load %arg14[%get3A_67, %get3A_68] : memref<1x1xf32, #tpu.memory_space<vmem>>, vector<1x1xf32>
    %get3A_70 = vector.extract %get3A_69[0, 0] : f32 from vector<1x1xf32>
    %add3A_71 = vector.broadcast %get3A_70 : f32 to vector<1024xf32>
    %add3A_72 = arith.addf %add3A_66, %add3A_71 : vector<1024xf32>
    %reshape3A = vector.shape_cast %add3A_72 : vector<1024xf32> to vector<1024x1xf32>
    %swap3A = arith.constant 0 : index
    %swap3A_73 = arith.constant 0 : index
    %swap3A_74 = vector.load %arg15[%swap3A, %swap3A_73] : memref<1024x1xf32, #tpu.memory_space<vmem>>, vector<1024x1xf32>
    tpu.vector_store %arg15[%swap3A, %swap3A_73], %reshape3A {strides = array<i32>} : memref<1024x1xf32, #tpu.memory_space<vmem>>, vector<1024x1xf32>,
    return
  }
  func.func @transform_0(%arg0: i32) -> (i32, i32) {
    %c0_i32 = arith.constant 0 : i32
    %c0_i32_0 = arith.constant 0 : i32
    return %arg0, %c0_i32 : i32, i32
  }
  func.func @transform_1(%arg0: i32) -> (i32, i32) {
    %c0_i32 = arith.constant 0 : i32
    %c0_i32_0 = arith.constant 0 : i32
    return %arg0, %c0_i32 : i32, i32
  }
  func.func @transform_2(%arg0: i32) -> (i32, i32) {
    %c0_i32 = arith.constant 0 : i32
    %c0_i32_0 = arith.constant 0 : i32
    return %arg0, %c0_i32 : i32, i32
  }
  func.func @transform_3(%arg0: i32) -> (i32, i32) {
    %c0_i32 = arith.constant 0 : i32
    %c0_i32_0 = arith.constant 0 : i32
    return %arg0, %c0_i32 : i32, i32
  }
  func.func @transform_4(%arg0: i32) -> (i32, i32) {
    %c0_i32 = arith.constant 0 : i32
    %c0_i32_0 = arith.constant 0 : i32
    %c0_i32_1 = arith.constant 0 : i32
    return %c0_i32, %c0_i32_0 : i32, i32
  }
  func.func @transform_5(%arg0: i32) -> (i32, i32) {
    %c0_i32 = arith.constant 0 : i32
    %c0_i32_0 = arith.constant 0 : i32
    %c0_i32_1 = arith.constant 0 : i32
    return %c0_i32, %c0_i32_0 : i32, i32
  }
  func.func @transform_6(%arg0: i32) -> (i32, i32) {
    %c0_i32 = arith.constant 0 : i32
    %c0_i32_0 = arith.constant 0 : i32
    %c0_i32_1 = arith.constant 0 : i32
    return %c0_i32, %c0_i32_0 : i32, i32
  }
  func.func @transform_7(%arg0: i32) -> (i32, i32) {
    %c0_i32 = arith.constant 0 : i32
    %c0_i32_0 = arith.constant 0 : i32
    %c0_i32_1 = arith.constant 0 : i32
    return %c0_i32, %c0_i32_0 : i32, i32
  }
  func.func @transform_8(%arg0: i32) -> (i32, i32) {
    %c0_i32 = arith.constant 0 : i32
    %c0_i32_0 = arith.constant 0 : i32
    %c0_i32_1 = arith.constant 0 : i32
    return %c0_i32, %c0_i32_0 : i32, i32
  }
  func.func @transform_9(%arg0: i32) -> (i32, i32) {
    %c0_i32 = arith.constant 0 : i32
    %c0_i32_0 = arith.constant 0 : i32
    %c0_i32_1 = arith.constant 0 : i32
    return %c0_i32, %c0_i32_0 : i32, i32
  }
  func.func @transform_10(%arg0: i32) -> (i32, i32) {
    %c0_i32 = arith.constant 0 : i32
    %c0_i32_0 = arith.constant 0 : i32
    %c0_i32_1 = arith.constant 0 : i32
    return %c0_i32, %c0_i32_0 : i32, i32
  }
  func.func @transform_11(%arg0: i32) -> (i32, i32) {
    %c0_i32 = arith.constant 0 : i32
    %c0_i32_0 = arith.constant 0 : i32
    %c0_i32_1 = arith.constant 0 : i32
    return %c0_i32, %c0_i32_0 : i32, i32
  }
  func.func @transform_12(%arg0: i32) -> (i32, i32) {
    %c0_i32 = arith.constant 0 : i32
    %c0_i32_0 = arith.constant 0 : i32
    %c0_i32_1 = arith.constant 0 : i32
    return %c0_i32, %c0_i32_0 : i32, i32
  }
  func.func @transform_13(%arg0: i32) -> (i32, i32) {
    %c0_i32 = arith.constant 0 : i32
    %c0_i32_0 = arith.constant 0 : i32
    %c0_i32_1 = arith.constant 0 : i32
    return %c0_i32, %c0_i32_0 : i32, i32
  }
  func.func @transform_14(%arg0: i32) -> (i32, i32) {
    %c0_i32 = arith.constant 0 : i32
    %c0_i32_0 = arith.constant 0 : i32
    return %arg0, %c0_i32 : i32, i32
  }
}

</mosaic_0001>

<sc_bundles>
// kernel: kernel.4.cloned.1.call-start
scs
__scs_entry_jumppad:
0x0: {  	(pc) =	sbr.rel $0x88, $3  }
0x1: {  	(tag) =	ssettag $0x0;
	lr =	simm.s32 $0x1  }
0x2: {  	[smem:$0x3F93] =	sst lr;
	_ =	strace $0xD0000000  }
0x3: {  	_ = 	snop  }
0x4: {  	_ = 	snop  }
0x5: {  	_ = 	snop  }
0x6: {  	_ = 	snop  }
0x7: {  	_ = 	snop  }
__scs_overlays_trampoline_lowered:
0x8: {  	[smem:$0x3FA2] =	sst s0  }
0x9: {  	[smem:$0x3FA3] =	sst s1  }
0xa: {  	[smem:$0x3FA4] =	sst s2  }
0xb: {  	[smem:$0x3FA5] =	sst s3  }
0xc: {  	[smem:$0x3FA6] =	sst s4  }
0xd: {  	[smem:$0x3FA7] =	sst s5  }
0xe: {  	[smem:$0x3FA8] =	sst s6  }
0xf: {  	[smem:$0x3FA9] =	sst s7  }
0x10: {  	[smem:$0x3FAA] =	sst s8  }
0x11: {  	[smem:$0x3FAB] =	sst s9;
	s0 =	simm.s32 @!p0 $0x0  }
0x12: {  	s1 =	sld [smem:$0x3F91];
	s0 =	simm.s32 @p0 $0x1  }
0x13: {  	[smem:$0x3FAC] =	sst s0;
	s0 =	simm.s32 @!p1 $0x0  }
0x14: {  	s2 =	sld [smem:$0x3F90];
	s0 =	simm.s32 @p1 $0x1  }
0x15: {  	[smem:$0x3FAD] =	sst s0;
	s0 =	simm.s32 @!p2 $0x0  }
0x16: {  	s3 =	sld [smem:$0x3FDB];
	s0 =	simm.s32 @p2 $0x1  }
0x17: {  	s4 =	simm.s32 $0x1BF5;
	[smem:$0x3FAF] =	sst s0  }
0x18: {  	s0 =	sld [smem:$0x3F92];
	_ =	swait.ge [sflag:s4], $0x0  }
0x19: {  	s7 =	sld [smem:$0x3F93]  }
0x1a: {  	s8 =	sadd.s32 $0xFFFFE003, lr  }
0x1b: {  	s9 =	sadd.s32 $0xFFFFFEF7, lr;
	s5 =	simm.s32 $0xFFFFFFFF;
	p2 =	slt.u32 s8, $0xFFFFF086  }
0x1c: {  	p1 =	slt.u32 s9, $0xF7A;
	s5 =	simm.s32 @!p2 $0x0  }
0x1d: {  	s5 =	simm.s32 @p1 $0x1;
	p0 =	seq.s32 s7, s2  }
0x1e: {  	s7 =	smul.u32 @!p0 $0xF7A, s2;
	p2 =	seq.s32 @!p0 s5, $0x0  }
0x1f: {  	s9 =	smul.u32 $0xF7A, s1;
	s8 =	simm.s32 @!p0 $0x1BF5;
	p2 =	por !p2, p0  }
0x20: {  	[sflag:s8] =	ssyncset.s32 @!p0 $0xFFFFF086;
	s6 =	sadd.s32 @!p0 s3, s7;
	s7 =	simm.s32 @!p0 $0x108  }
0x21: {  	s3 =	sadd.s32 s3, s9;
	s6 =	sadd.s32 @!p0 $0x88, s6;
	s7 =	simm.s32 @p2 $0x1082  }
0x22: {  	[simem:s7], [sflag:s8] =	dma.local @!p0 [hbm:s6], $0xF7A  }
0x23: {  	s9 =	sor.u32 $0xD0000000, s2;
	s6 =	simm.s32 $0x108;
	_ =	swait.ge @!p0 [sflag:s8], $0x0  }
0x24: {  	s3 =	sadd.s32 $0x88, s3;
	s6 =	simm.s32 @!p1 $0x1082;
	[sflag:s4] =	ssyncset.s32 $0xFFFFF086  }
0x25: {  	[simem:s6], [sflag:s4] =	dma.local [hbm:s3], $0xF7A  }
0x26: {  	[smem:$0x3F93] =	sst s1;
	(tag) =	ssettag s2;
	_ =	strace s9  }
0x27: {  	s1 =	sld [smem:$0x3FA3]  }
0x28: {  	s2 =	sld [smem:$0x3FA4]  }
0x29: {  	s4 =	sld [smem:$0x3FA6]  }
0x2a: {  	p0 =	seq.s32 s5, $0x0;
	s5 =	sld [smem:$0x3FA7]  }
0x2b: {  	s6 =	sld [smem:$0x3FA8]  }
0x2c: {  	s7 =	sld [smem:$0x3FA9]  }
0x2d: {  	s3 =	simm.s32 $0x108;
	s8 =	sld [smem:$0x3FAA]  }
0x2e: {  	s3 =	simm.s32 @!p0 $0x1082;
	s9 =	sld [smem:$0x3FAB]  }
0x2f: {  	lr =	sadd.s32 s0, s3;
	s0 =	sld [smem:$0x3FA2]  }
0x30: {  	s3 =	sld [smem:$0x3FA5]  }
0x31: {  	[smem:$0x3FAE] =	sst s10  }
0x32: {  	s10 =	sld [smem:$0x3FAC];
	_ =	sdelay $0x3  }
0x33: {  	p0 =	seq.s32 s10, $0x1;
	s10 =	sld [smem:$0x3FAE];
	_ =	sdelay $0x3  }
0x34: {  	[smem:$0x3FAE] =	sst s10  }
0x35: {  	s10 =	sld [smem:$0x3FAD];
	_ =	sdelay $0x3  }
0x36: {  	p1 =	seq.s32 s10, $0x1;
	s10 =	sld [smem:$0x3FAE];
	_ =	sdelay $0x3  }
0x37: {  	[smem:$0x3FAE] =	sst s10  }
0x38: {  	s10 =	sld [smem:$0x3FAF]  }
0x39: {  	_ = 	snop;
	(pc) =	sbr.ind lr, $3  }
0x3a: {  	_ = 	snop  }
0x3b: {  	_ = 	snop  }
0x3c: {  	p2 =	seq.s32 s10, $0x1;
	s10 =	sld [smem:$0x3FAE]  }
0x3d: {  	_ =	shalt  }
0x3e: {  	_ =	shalt  }
0x3f: {  	_ =	shalt  }
0x40: {  	_ =	shalt  }
0x41: {  	_ =	shalt  }
0x42: {  	_ =	shalt  }
0x43: {  	_ =	shalt  }
0x44: {  	_ =	shalt  }
0x45: {  	_ =	shalt  }
0x46: {  	_ =	shalt  }
0x47: {  	_ =	shalt  }
0x48: {  	_ =	shalt  }
0x49: {  	_ =	shalt  }
0x4a: {  	_ =	shalt  }
0x4b: {  	_ =	shalt  }
0x4c: {  	_ =	shalt  }
0x4d: {  	_ =	shalt  }
0x4e: {  	_ =	shalt  }
0x4f: {  	_ =	shalt  }
0x50: {  	_ =	shalt  }
0x51: {  	_ =	shalt  }
0x52: {  	_ =	shalt  }
0x53: {  	_ =	shalt  }
0x54: {  	_ =	shalt  }
0x55: {  	_ =	shalt  }
0x56: {  	_ =	shalt  }
0x57: {  	_ =	shalt  }
0x58: {  	_ =	shalt  }
0x59: {  	_ =	shalt  }
0x5a: {  	_ =	shalt  }
0x5b: {  	_ =	shalt  }
0x5c: {  	_ =	shalt  }
0x5d: {  	_ =	shalt  }
0x5e: {  	_ =	shalt  }
0x5f: {  	_ =	shalt  }
0x60: {  	_ =	shalt  }
0x61: {  	_ =	shalt  }
0x62: {  	_ =	shalt  }
0x63: {  	_ =	shalt  }
0x64: {  	_ =	shalt  }
0x65: {  	_ =	shalt  }
0x66: {  	_ =	shalt  }
0x67: {  	_ =	shalt  }
0x68: {  	_ =	shalt  }
0x69: {  	_ =	shalt  }
0x6a: {  	_ =	shalt  }
0x6b: {  	_ =	shalt  }
0x6c: {  	_ =	shalt  }
0x6d: {  	_ =	shalt  }
0x6e: {  	_ =	shalt  }
0x6f: {  	_ =	shalt  }
0x70: {  	_ =	shalt  }
0x71: {  	_ =	shalt  }
0x72: {  	_ =	shalt  }
0x73: {  	_ =	shalt  }
0x74: {  	_ =	shalt  }
0x75: {  	_ =	shalt  }
0x76: {  	_ =	shalt  }
0x77: {  	_ =	shalt  }
0x78: {  	_ =	shalt  }
0x79: {  	_ =	shalt  }
0x7a: {  	_ =	shalt  }
0x7b: {  	_ =	shalt  }
0x7c: {  	_ =	shalt  }
0x7d: {  	_ =	shalt  }
0x7e: {  	_ =	shalt  }
0x7f: {  	_ =	shalt  }
0x80: {  	_ =	shalt  }
0x81: {  	_ =	shalt  }
0x82: {  	_ =	shalt  }
0x83: {  	_ =	shalt  }
0x84: {  	_ =	shalt  }
0x85: {  	_ =	shalt  }
0x86: {  	_ =	shalt  }
0x87: {  	_ =	shalt  }
.Lfunc_end0:
.L_simem_size_0:
called_computation_lowered:
.L_overlay_start_0:
0x88: {  	s2 =	sld [smem:$0x3FD9]  }
0x89: {  	s3 =	sld [smem:$0x3FFE];
	_ =	sdelay $0x1  }
0x8a: {  	s1 =	srdreg.scid  }
0x8b: {  	s0 =	sand.u32 $0x1, s1  }
0x8c: {  	s17 =	sshll.u32 s0, $0xA;
	s2 =	sadd.s32 s3, s2  }
0x8d: {  	s2 =	sadd.s32 s2, s17  }
0x8e: {  	[smem:$0x3FBA] =	sst s2  }
0x8f: {  	_ = 	snop  }
0x90: {  	s2 =	sld [smem:$0x3FC9]  }
0x91: {  	s18 =	sld [smem:$0x3FC8]  }
0x92: {  	s4 =	sld [smem:$0x3FC5]  }
0x93: {  	s5 =	sld [smem:$0x3FC4];
	(tm) =	ssettm $0x1  }
0x94: {  	s6 =	sld [smem:$0x3FFB];
	_ =	sdelay $0x3  }
0x95: {  	_ =	strace s6  }
0x96: {  	s6 =	sld [smem:$0x3FFC];
	_ =	sdelay $0x3  }
0x97: {  	_ =	strace s6  }
0x98: {  	s6 =	sld [smem:$0x3FFD];
	_ =	sdelay $0x3  }
0x99: {  	_ =	strace s6  }
0x9a: {  	_ =	strace $0x8FFFFFFF  }
0x9b: {  	s19 =	sld [smem:$0x3FDB];
	_ =	sdelay $0x1  }
0x9c: {  	s7 =	simm.s32 $_scs_section_size  }
0x9d: {  	s8 =	simm.s32 $_size__tile_overlayer_lowered;
	s9 =	simm.s32 $_tile_overlayer_lowered  }
0x9e: {  	s22 =	simm.s32 $0x1BFF;
	s21 =	sshll.u32 s9, $0x1;
	s6 =	sadd.s32 s7, s19  }
0x9f: {  	s10 =	simm.s32 $0x0;
	s20 =	sshll.u32 s8, $0x1;
	s8 =	sadd.s32 s21, s6  }
0xa0: {  	[timem:s10], [sflag:s22] =	dma.local [hbm:s8], s20  }
0xa1: {  	_ =	swait.ge [sflag:s22], s20  }
0xa2: {  	s7 =	ssub.s32 $0x0, s20;
	[sflag:s22] =	ssyncset.done $0x0  }
0xa3: {  	[sflag:s22] =	ssyncadd.s32 s7;
	_ =	sdelay $0x1  }
0xa4: {  	s23 =	simm.s32 $0x1B8B  }
0xa5: {  	_ =	swait.ge [sflag:s23], $0x1  }
0xa6: {  	[sflag:s23] =	ssyncset.done $0x0  }
0xa7: {  	s25 =	simm.s32 $0x1B8E;
	s24 =	sld [smem:$0x3FFE];
	[sflag:s23] =	ssyncadd.s32 $0xFFFFFFFF  }
0xa8: {  	s26 =	simm.s32 $execute0_lowered;
	[smem:$0x3FD2] =	sst s25  }
0xa9: {  	s8 =	sshll.u32 s26, $0x1;
	_ =	strace $0x80000046;
	[dreg:$0x1] =	wrdreg $0xFFFFFFFF  }
0xaa: {  	s28 =	simm.s32 $_size_execute0_lowered;
	s6 =	sadd.s32 s6, s8;
	[dreg:$0x0] =	wrdreg $0x0  }
0xab: {  	s8 =	sshll.u32 s28, $0x1;
	[dreg:$0x2] =	wrdreg s6  }
0xac: {  	[dreg:$0x3] =	wrdreg s8  }
0xad: {  	[dreg:$0x4] =	wrdreg $0xC0  }
0xae: {  	_ =	task [dreg:s10], $0x5FFFF  }
0xaf: {  	[dreg:$0x1] =	wrdreg $0xFFFFFFFF  }
0xb0: {  	[dreg:$0x0] =	wrdreg $0x60  }
0xb1: {  	[dreg:$0x2] =	wrdreg s2  }
0xb2: {  	[dreg:$0x3] =	wrdreg s18  }
0xb3: {  	[dreg:$0x4] =	wrdreg s24  }
0xb4: {  	[dreg:$0x5] =	wrdreg s4  }
0xb5: {  	[dreg:$0x6] =	wrdreg s5  }
0xb6: {  	[dreg:$0x7] =	wrdreg $0x9  }
0xb7: {  	_ =	task.clear_ibuf [dreg:s10], $0x8FFFF;
	_ =	strace $0x90000046  }
0xb8: {  	s29 =	simm.s32 $0x9;
	_ =	strace $0x80000048  }
0xb9: {  	_ =	swait.ge [sflag:s29], $0x1  }
0xba: {  	[sflag:s29] =	ssyncadd.s32 $0xFFFFFFFF  }
0xbb: {  	_ =	strace $0x90000048  }
0xbc: {  	_ =	sfence  }
0xbd: {  	s30 =	sld [smem:$0x0];
	_ =	sdelay $0x2  }
0xbe: {  	s31 =	sshll.u32 s1, $0xD;
	s1 =	sshrl.u32 s1, $0x2  }
0xbf: {  	s3 =	sand.u32 $0x4000, s31;
	s1 =	sadd.s32 s1, s30  }
0xc0: {  	s0 =	sor.u32 s3, s0;
	s1 =	sshll.u32 s1, $0x11  }
0xc1: {  	s0 =	sor.u32 s1, s0  }
0xc2: {  	s0 =	sadd.s32 $0x8F2B, s0  }
0xc3: {  	[sflag:s0] =	ssyncadd.remote.s32 $0x1  }
0xc4: {  	_ =	sfence.sel $0xFFFF  }
0xc5: {  	[dreg:$0x0] =	wrdreg $0xFFFFFFFF;
	(pc) =	sbr.abs _section_cstart, $3  }
0xc6: {  	[dreg:$0x1] =	wrdreg $0xFFFFFFFF  }
0xc7: {  	_ =	task.clear_ibuf [dreg:s10], $0x2FFFF;
	_ =	strace $0x9FFFFFFF  }
0xc8: {  	(tm) =	ssettm $0x7FFFFFFF  }
0xc9: {  	_ =	shalt  }
tec
execute0_lowered:
.L_overlay_start_1:
0x0: {  	(tag) =	ssettag $0x1  }
0x1: {  	s0 =	rddreg [dreg:$0x0]  }
0x2: {  	s5 =	rddreg [dreg:$0x1]  }
0x3: {  	s7 =	rddreg [dreg:$0x2]  }
0x4: {  	s1 =	rddreg [dreg:$0x3]  }
0x5: {  	s2 =	rddreg [dreg:$0x4]  }
0x6: {  	s3 =	simm.s32 $0x0;
	s9 =	srdreg.scid;
	s12 =	stileid.u32  }
0x7: {  	s28 =	simm.s32 $0x1;
	s29 =	simm.s32 $0x2;
	s31 =	simm.s32 $0x3  }
0x8: {  	s30 =	simm.s32 $0x10400;
	[smem:$0x7FF] =	sst s3;
	s4 =	sadd.s32 $0x1800, s7  }
0x9: {  	s6 =	sadd.s32 $0xF43C00, s7;
	s8 =	sadd.s32 $0x1E86000, s7;
	s9 =	sand.u32 $0x1, s9  }
0xa: {  	s12 =	sshll.u32 s12, $0xA;
	s11 =	ssub.s32 $0x2, s9;
	s9 =	sshll.u32 s9, $0x9  }
0xb: {  	s10 =	sadd.s32 $0x1EC6000, s7;
	s15 =	sadd.s32 $0x1F06000, s7;
	s9 =	sor.u32 s9, s12  }
0xc: {  	s7 =	sadd.s32 $0x1F46000, s7;
	s13 =	sshrl.u32 s11, $0x1;
	s12 =	sshrl.u32 s9, $0x3  }
0xd: {  	_ =	strace $0x80000047;
	s11 =	ssub.s32 s11, s13;
	s0 =	sadd.s32 s0, s12  }
0xe: {  	s19 =	sshll.u32 s9, $0x4;
	s18 =	sadd.s32 s5, s12;
	[dreg:$0x6] =	wrdreg s0  }
0xf: {  	s20 =	sadd.s32 s15, s19;
	s21 =	sadd.s32 s7, s19;
	[dreg:$0x7] =	wrdreg s18  }
0x10: {  	s22 =	sor.u32 $0x800, s19;
	s24 =	sor.u32 $0x1000, s19;
	[dreg:$0x8] =	wrdreg s20  }
0x11: {  	s26 =	sor.u32 $0x1800, s19;
	s17 =	sadd.s32 s8, s19;
	[dreg:$0x9] =	wrdreg s21  }
0x12: {  	s23 =	sadd.s32 s15, s22;
	s5 =	sadd.s32 s7, s22;
	s25 =	sadd.s32 s15, s24  }
0x13: {  	s14 =	sadd.s32 s7, s24;
	s15 =	sadd.s32 s15, s26;
	s16 =	sadd.s32 s7, s26  }
0x14: {  	s18 =	sadd.s32 s10, s19;
	s19 =	sadd.s32 s8, s24;
	s20 =	sadd.s32 s10, s24  }
0x15: {  	s21 =	smax.u32 s11, $0x1;
	s22 =	simm.s32 $0x5;
	[dreg:$0xa] =	wrdreg s23  }
0x16: {  	s24 =	simm.s32 $0x80;
	s26 =	simm.s32 $0x4400;
	[dreg:$0xb] =	wrdreg s5  }
0x17: {  	s0 =	simm.s32 $0x4;
	s7 =	simm.s32 $0x0;
	[dreg:$0xc] =	wrdreg s25  }
0x18: {  	v0 =	vlaneseq.u32;
	s23 =	simm.s32 $0x200;
	s25 =	simm.s32 $0x400;
	s5 =	simm.s32 $0x8400  }
.LBB2_1:
0x19: {  	s8 =	rddreg [dreg:$0x6]  }
0x1a: {  	[tilespmem:s3], [sflag:$0x5] =	stream.linear.gather [hbm4b:s8+s3], $0x200, $0x38;
	[tilespmem:$0x18400] =	vst v63  }
0x1b: {  	_ =	swait.ge [sflag:s22], $0x200  }
0x1c: {  	[sflag:s22] =	ssyncset.done $0x0  }
0x1d: {  	s9 =	rddreg [dreg:$0x7];
	[sflag:s22] =	ssyncadd.s32 $0xFFFFFE00  }
0x1e: {  	[tilespmem:s23], [sflag:$0x5] =	stream.linear.gather [hbm4b:s9+s3], $0x200, $0x38;
	[tilespmem:$0x18400] =	vst v63  }
0x1f: {  	_ =	swait.ge [sflag:s22], $0x200  }
0x20: {  	[sflag:s22] =	ssyncset.done $0x0  }
0x21: {  	[sflag:s22] =	ssyncadd.s32 $0xFFFFFE00  }
0x22: {  	[tilespmem:s25], [sflag:$0x1] =	stream.indirect.gather [hbm4b:s1+s24], $0x80, s3, s24, $0xb8;
	[tilespmem:$0x18400] =	vst v63  }
0x23: {  	_ = 	snop  }
0x24: {  	[tilespmem:s26], [sflag:$0x2] =	stream.indirect.gather [hbm4b:s2+s24], $0x80, s23, s24, $0xb8;
	[tilespmem:$0x18400] =	vst v63  }
0x25: {  	_ =	swait.ge [sflag:s28], $0x4000  }
0x26: {  	[sflag:s28] =	ssyncset.done $0x0  }
0x27: {  	[sflag:s28] =	ssyncadd.s32 $0xFFFFC000  }
0x28: {  	_ =	swait.ge [sflag:s29], $0x4000  }
0x29: {  	[sflag:s29] =	ssyncset.done $0x0  }
0x2a: {  	s10 =	rddreg [dreg:$0x8];
	[sflag:s29] =	ssyncadd.s32 $0xFFFFC000  }
0x2b: {  	[hbm4b:s10+s3] =	stream.linear.scatter [tilespmem:s25], [sflag:$0x5], $0x4000, $0x38;
	[tilespmem:$0x18400] =	vst v63  }
0x2c: {  	_ =	swait.ge [sflag:s22], $0x4000  }
0x2d: {  	[sflag:s22] =	ssyncset.done $0x0  }
0x2e: {  	s11 =	rddreg [dreg:$0x9];
	[sflag:s22] =	ssyncadd.s32 $0xFFFFC000  }
0x2f: {  	[hbm4b:s11+s3] =	stream.linear.scatter [tilespmem:s26], [sflag:$0x5], $0x4000, $0x38;
	[tilespmem:$0x18400] =	vst v63  }
0x30: {  	_ =	swait.ge [sflag:s22], $0x4000  }
0x31: {  	[sflag:s22] =	ssyncset.done $0x0  }
0x32: {  	[sflag:s22] =	ssyncadd.s32 $0xFFFFC000  }
0x33: {  	[tilespmem:s25], [sflag:$0x1] =	stream.indirect.gather [hbm4b:s1+s24], $0x80, s24, s24, $0xb8;
	[tilespmem:$0x18400] =	vst v63  }
0x34: {  	s12 =	simm.s32 $0x280  }
0x35: {  	[tilespmem:s26], [sflag:$0x2] =	stream.indirect.gather [hbm4b:s2+s24], $0x80, s12, s24, $0xb8;
	[tilespmem:$0x18400] =	vst v63  }
0x36: {  	_ =	swait.ge [sflag:s28], $0x4000  }
0x37: {  	[sflag:s28] =	ssyncset.done $0x0  }
0x38: {  	[sflag:s28] =	ssyncadd.s32 $0xFFFFC000  }
0x39: {  	_ =	swait.ge [sflag:s29], $0x4000  }
0x3a: {  	[sflag:s29] =	ssyncset.done $0x0  }
0x3b: {  	s13 =	rddreg [dreg:$0xa];
	[sflag:s29] =	ssyncadd.s32 $0xFFFFC000  }
0x3c: {  	[hbm4b:s13+s3] =	stream.linear.scatter [tilespmem:s25], [sflag:$0x5], $0x4000, $0x38;
	[tilespmem:$0x18400] =	vst v63  }
0x3d: {  	_ =	swait.ge [sflag:s22], $0x4000  }
0x3e: {  	[sflag:s22] =	ssyncset.done $0x0  }
0x3f: {  	s9 =	rddreg [dreg:$0xb];
	[sflag:s22] =	ssyncadd.s32 $0xFFFFC000  }
0x40: {  	[hbm4b:s9+s3] =	stream.linear.scatter [tilespmem:s26], [sflag:$0x5], $0x4000, $0x38;
	[tilespmem:$0x18400] =	vst v63  }
0x41: {  	_ =	swait.ge [sflag:s22], $0x4000  }
0x42: {  	[sflag:s22] =	ssyncset.done $0x0  }
0x43: {  	s10 =	simm.s32 $0x100;
	[sflag:s22] =	ssyncadd.s32 $0xFFFFC000  }
0x44: {  	[tilespmem:s25], [sflag:$0x1] =	stream.indirect.gather [hbm4b:s1+s24], $0x80, s10, s24, $0xb8;
	[tilespmem:$0x18400] =	vst v63  }
0x45: {  	s11 =	simm.s32 $0x300  }
0x46: {  	[tilespmem:s26], [sflag:$0x2] =	stream.indirect.gather [hbm4b:s2+s24], $0x80, s11, s24, $0xb8;
	[tilespmem:$0x18400] =	vst v63  }
0x47: {  	_ =	swait.ge [sflag:s28], $0x4000  }
0x48: {  	[sflag:s28] =	ssyncset.done $0x0  }
0x49: {  	[sflag:s28] =	ssyncadd.s32 $0xFFFFC000  }
0x4a: {  	_ =	swait.ge [sflag:s29], $0x4000  }
0x4b: {  	[sflag:s29] =	ssyncset.done $0x0  }
0x4c: {  	s12 =	rddreg [dreg:$0xc];
	[sflag:s29] =	ssyncadd.s32 $0xFFFFC000  }
0x4d: {  	[hbm4b:s12+s3] =	stream.linear.scatter [tilespmem:s25], [sflag:$0x5], $0x4000, $0x38;
	[tilespmem:$0x18400] =	vst v63  }
0x4e: {  	_ =	swait.ge [sflag:s22], $0x4000  }
0x4f: {  	[sflag:s22] =	ssyncset.done $0x0  }
0x50: {  	[sflag:s22] =	ssyncadd.s32 $0xFFFFC000  }
0x51: {  	[hbm4b:s14+s3] =	stream.linear.scatter [tilespmem:s26], [sflag:$0x5], $0x4000, $0x38;
	[tilespmem:$0x18400] =	vst v63  }
0x52: {  	_ =	swait.ge [sflag:s22], $0x4000  }
0x53: {  	[sflag:s22] =	ssyncset.done $0x0  }
0x54: {  	s13 =	simm.s32 $0x180;
	[sflag:s22] =	ssyncadd.s32 $0xFFFFC000  }
0x55: {  	[tilespmem:s25], [sflag:$0x1] =	stream.indirect.gather [hbm4b:s1+s24], $0x80, s13, s24, $0xb8;
	[tilespmem:$0x18400] =	vst v63  }
0x56: {  	s9 =	simm.s32 $0x380  }
0x57: {  	[tilespmem:s26], [sflag:$0x2] =	stream.indirect.gather [hbm4b:s2+s24], $0x80, s9, s24, $0xb8;
	[tilespmem:$0x18400] =	vst v63  }
0x58: {  	_ =	swait.ge [sflag:s28], $0x4000  }
0x59: {  	[sflag:s28] =	ssyncset.done $0x0  }
0x5a: {  	[sflag:s28] =	ssyncadd.s32 $0xFFFFC000  }
0x5b: {  	_ =	swait.ge [sflag:s29], $0x4000  }
0x5c: {  	[sflag:s29] =	ssyncset.done $0x0  }
0x5d: {  	[sflag:s29] =	ssyncadd.s32 $0xFFFFC000  }
0x5e: {  	[hbm4b:s15+s3] =	stream.linear.scatter [tilespmem:s25], [sflag:$0x5], $0x4000, $0x38;
	[tilespmem:$0x18400] =	vst v63  }
0x5f: {  	_ =	swait.ge [sflag:s22], $0x4000  }
0x60: {  	[sflag:s22] =	ssyncset.done $0x0  }
0x61: {  	[sflag:s22] =	ssyncadd.s32 $0xFFFFC000  }
0x62: {  	[hbm4b:s16+s3] =	stream.linear.scatter [tilespmem:s26], [sflag:$0x5], $0x4000, $0x38;
	[tilespmem:$0x18400] =	vst v63  }
0x63: {  	_ =	swait.ge [sflag:s22], $0x4000  }
0x64: {  	[sflag:s22] =	ssyncset.done $0x0  }
0x65: {  	s10 =	sand.u32 $0xF0, s3;
	[sflag:s22] =	ssyncadd.s32 $0xFFFFC000  }
0x66: {  	v1 =	vld [tilespmem:s10+$0x0]  }
0x67: {  	v2 =	vld [tilespmem:s10+$0x200]  }
0x68: {  	s11 =	sand.u32 $0xF, s3  }
0x69: {  	v3 =	vmov s11  }
0x6a: {  	vm0 =	veq.s32 v3, v0  }
0x6b: {  	v1 =	vnsel vm0, $0x0, v1  }
0x6c: {  	v2 =	vnsel vm0, $0x0, v2;
	(xrf0) =	vadd.scan.msk.s32 $0xffff, v1  }
0x6d: {  	(xrf0) =	vadd.scan.msk.s32 $0xffff, v2;
	_ =	sdelay $0x4  }
0x6e: {  	v1, _, _ =	vpop (xrf0)  }
0x6f: {  	(v2sf) =	vpush v1, $0xF;
	v1, _, _ =	vpop (xrf0)  }
0x70: {  	(v2sf) =	vpush v1, $0xF;
	_ =	sdelay $0xd  }
0x71: {  	s12 =	spop (v2sf)  }
0x72: {  	s8 =	sshll.u32 s12, $0x4;
	s9 =	spop (v2sf)  }
0x73: {  	s8 =	sand.u32 $0x1FFFFFF0, s8;
	s9 =	sshll.u32 s9, $0x4  }
0x74: {  	s10 =	simm.s32 $0x1;
	s8 =	sadd.s32 s4, s8;
	s9 =	sand.u32 $0x1FFFFFF0, s9  }
0x75: {  	[tilespmem:s5], [sflag:$0x3] =	stream.linear.gather [hbm4b:s8+s3], $0x80, $0x38;
	[tilespmem:$0x18400] =	vst v63  }
0x76: {  	s12 =	sand.u32 $0xF0, s10;
	s13 =	sadd.s32 s6, s9  }
0x77: {  	[tilespmem:s30], [sflag:$0x4] =	stream.linear.gather [hbm4b:s13+s3], $0x80, $0x38;
	[tilespmem:$0x18400] =	vst v63  }
0x78: {  	s11 =	simm.s32 $0x2;
	s9 =	simm.s32 $0x8400;
	s8 =	simm.s32 $0x10400;
	v1 =	vld [tilespmem:s12+$0x0]  }
.LBB2_2:
0x79: {  	p0 =	sne.s32 s11, $0xFF;
	v2 =	vld [tilespmem:s12+$0x200]  }
0x7a: {  	s12 =	sand.u32 $0xF, s10;
	s10 =	smov.u32 s11  }
0x7b: {  	v3 =	vmov s12  }
0x7c: {  	vm0 =	veq.s32 v3, v0  }
0x7d: {  	v1 =	vnsel vm0, $0x0, v1  }
0x7e: {  	v2 =	vnsel vm0, $0x0, v2;
	(xrf0) =	vadd.scan.msk.s32 $0xffff, v1  }
0x7f: {  	(xrf0) =	vadd.scan.msk.s32 $0xffff, v2;
	_ =	sdelay $0x4  }
0x80: {  	v1, _, _ =	vpop (xrf0)  }
0x81: {  	(v2sf) =	vpush v1, $0xF;
	v1, _, _ =	vpop (xrf0)  }
0x82: {  	(v2sf) =	vpush v1, $0xF;
	_ =	sdelay $0xd  }
0x83: {  	s12 =	spop (v2sf)  }
0x84: {  	s12 =	sshll.u32 s12, $0x4;
	s13 =	spop (v2sf)  }
0x85: {  	s9 =	sadd.s32 $0x80, s9;
	s12 =	sand.u32 $0x1FFFFFF0, s12;
	s13 =	sshll.u32 s13, $0x4  }
.Ltmp0:
0x86: {  	s12 =	sadd.s32 s4, s12;
	s13 =	sand.u32 $0x1FFFFFF0, s13;
	(pc) =	sbr.rel @p0 .LBB2_2-.Ltmp0, $4  }
0x87: {  	[tilespmem:s9], [sflag:$0x3] =	stream.linear.gather [hbm4b:s12+s3], $0x80, $0x38;
	[tilespmem:$0x18400] =	vst v63  }
0x88: {  	s8 =	sadd.s32 $0x80, s8;
	s12 =	sand.u32 $0xF0, s11;
	s13 =	sadd.s32 s6, s13  }
0x89: {  	[tilespmem:s8], [sflag:$0x4] =	stream.linear.gather [hbm4b:s13+s3], $0x80, $0x38;
	[tilespmem:$0x18400] =	vst v63  }
0x8a: {  	s11 =	sadd.s32 $0x1, s11;
	v1 =	vld [tilespmem:s12+$0x0]  }
0x8b: {  	v2 =	vld [tilespmem:s12+$0x200]  }
0x8c: {  	s10 =	sand.u32 $0xF, s10  }
0x8d: {  	v3 =	vmov s10  }
0x8e: {  	vm0 =	veq.s32 v3, v0  }
0x8f: {  	v1 =	vnsel vm0, $0x0, v1  }
0x90: {  	v2 =	vnsel vm0, $0x0, v2;
	(xrf0) =	vadd.scan.msk.s32 $0xffff, v1  }
0x91: {  	(xrf0) =	vadd.scan.msk.s32 $0xffff, v2;
	_ =	sdelay $0x4  }
0x92: {  	v1, _, _ =	vpop (xrf0)  }
0x93: {  	(v2sf) =	vpush v1, $0xF;
	v1, _, _ =	vpop (xrf0)  }
0x94: {  	(v2sf) =	vpush v1, $0xF;
	_ =	sdelay $0xd  }
0x95: {  	s12 =	spop (v2sf)  }
0x96: {  	s10 =	sshll.u32 s12, $0x4;
	s11 =	spop (v2sf)  }
0x97: {  	s10 =	sand.u32 $0x1FFFFFF0, s10;
	s11 =	sshll.u32 s11, $0x4  }
0x98: {  	s9 =	sadd.s32 $0x80, s9;
	s10 =	sadd.s32 s4, s10;
	s11 =	sand.u32 $0x1FFFFFF0, s11  }
0x99: {  	[tilespmem:s9], [sflag:$0x3] =	stream.linear.gather [hbm4b:s10+s3], $0x80, $0x38;
	[tilespmem:$0x18400] =	vst v63  }
0x9a: {  	s8 =	sadd.s32 $0x80, s8;
	s13 =	sadd.s32 s6, s11  }
0x9b: {  	[tilespmem:s8], [sflag:$0x4] =	stream.linear.gather [hbm4b:s13+s3], $0x80, $0x38;
	[tilespmem:$0x18400] =	vst v63  }
0x9c: {  	_ =	swait.ge [sflag:s31], $0x80  }
0x9d: {  	[sflag:s31] =	ssyncset.done $0x0  }
0x9e: {  	[sflag:s31] =	ssyncadd.s32 $0xFFFFFF80  }
0x9f: {  	_ =	swait.ge [sflag:s0], $0x80  }
0xa0: {  	s8 =	simm.s32 $0xFF;
	[sflag:s0] =	ssyncset.done $0x0  }
.LBB2_4:
0xa1: {  	p0 =	sne.s32 s8, $0x1;
	s8 =	sadd.s32 $0xFFFFFFFF, s8;
	[sflag:s0] =	ssyncadd.s32 $0xFFFFFF80  }
.Ltmp1:
0xa2: {  	_ =	swait.ge [sflag:s31], $0x80;
	(pc) =	sbr.rel @p0 .LBB2_4-.Ltmp1, $4  }
0xa3: {  	[sflag:s31] =	ssyncset.done $0x0  }
0xa4: {  	[sflag:s31] =	ssyncadd.s32 $0xFFFFFF80  }
0xa5: {  	_ =	swait.ge [sflag:s0], $0x80  }
0xa6: {  	[sflag:s0] =	ssyncset.done $0x0  }
0xa7: {  	[sflag:s0] =	ssyncadd.s32 $0xFFFFFF80;
	s10 =	simm.s32 $0x0;
	s8 =	simm.s32 $0x8400  }
0xa8: {  	[hbm4b:s17+s10] =	stream.linear.scatter [tilespmem:s8], [sflag:$0x5], $0x8000, $0x38;
	[tilespmem:$0x18400] =	vst v63  }
0xa9: {  	_ =	swait.ge [sflag:s22], $0x8000  }
0xaa: {  	[sflag:s22] =	ssyncset.done $0x0  }
0xab: {  	s9 =	simm.s32 $0x10400;
	[sflag:s22] =	ssyncadd.s32 $0xFFFF8000  }
0xac: {  	[hbm4b:s18+s10] =	stream.linear.scatter [tilespmem:s9], [sflag:$0x5], $0x8000, $0x38;
	[tilespmem:$0x18400] =	vst v63  }
0xad: {  	_ =	swait.ge [sflag:s22], $0x8000  }
0xae: {  	[sflag:s22] =	ssyncset.done $0x0  }
0xaf: {  	s11 =	sand.u32 $0xF0, s10;
	[sflag:s22] =	ssyncadd.s32 $0xFFFF8000  }
0xb0: {  	v1 =	vld [tilespmem:s11+$0x100];
	_ =	sdelay $0x1  }
0xb1: {  	s10 =	sand.u32 $0xF, s10;
	v2 =	vld [tilespmem:s11+$0x300]  }
0xb2: {  	v3 =	vmov s10  }
0xb3: {  	vm0 =	veq.s32 v3, v0  }
0xb4: {  	v1 =	vnsel vm0, $0x0, v1  }
0xb5: {  	(xrf0) =	vadd.scan.msk.s32 $0xffff, v1  }
0xb6: {  	v2 =	vnsel vm0, $0x0, v2  }
0xb7: {  	(xrf0) =	vadd.scan.msk.s32 $0xffff, v2;
	_ =	sdelay $0x3  }
0xb8: {  	v1, _, _ =	vpop (xrf0)  }
0xb9: {  	(v2sf) =	vpush v1, $0xF  }
0xba: {  	v1, _, _ =	vpop (xrf0)  }
0xbb: {  	(v2sf) =	vpush v1, $0xF;
	_ =	sdelay $0xc  }
0xbc: {  	s12 =	spop (v2sf)  }
0xbd: {  	s10 =	sshll.u32 s12, $0x4  }
0xbe: {  	s13 =	spop (v2sf);
	s10 =	sand.u32 $0x1FFFFFF0, s10  }
0xbf: {  	s11 =	sshll.u32 s13, $0x4;
	s10 =	sadd.s32 s4, s10  }
0xc0: {  	[tilespmem:s8], [sflag:$0x3] =	stream.linear.gather [hbm4b:s10+s3], $0x80, $0x38;
	[tilespmem:$0x18400] =	vst v63  }
0xc1: {  	s11 =	sand.u32 $0x1FFFFFF0, s11;
	s10 =	simm.s32 $0x1  }
0xc2: {  	s11 =	sadd.s32 s6, s11;
	s12 =	sand.u32 $0xF0, s10  }
0xc3: {  	[tilespmem:s9], [sflag:$0x4] =	stream.linear.gather [hbm4b:s11+s3], $0x80, $0x38;
	[tilespmem:$0x18400] =	vst v63  }
0xc4: {  	s11 =	simm.s32 $0x2;
	v1 =	vld [tilespmem:s12+$0x100]  }
.LBB2_6:
0xc5: {  	p0 =	sne.s32 s11, $0xFF;
	v2 =	vld [tilespmem:s12+$0x300]  }
0xc6: {  	s12 =	sand.u32 $0xF, s10;
	s10 =	smov.u32 s11  }
0xc7: {  	v3 =	vmov s12  }
0xc8: {  	vm0 =	veq.s32 v3, v0  }
0xc9: {  	v1 =	vnsel vm0, $0x0, v1  }
0xca: {  	v2 =	vnsel vm0, $0x0, v2;
	(xrf0) =	vadd.scan.msk.s32 $0xffff, v1  }
0xcb: {  	(xrf0) =	vadd.scan.msk.s32 $0xffff, v2;
	_ =	sdelay $0x4  }
0xcc: {  	v1, _, _ =	vpop (xrf0)  }
0xcd: {  	(v2sf) =	vpush v1, $0xF;
	v1, _, _ =	vpop (xrf0)  }
0xce: {  	(v2sf) =	vpush v1, $0xF;
	_ =	sdelay $0xd  }
0xcf: {  	s12 =	spop (v2sf)  }
0xd0: {  	s12 =	sshll.u32 s12, $0x4;
	s13 =	spop (v2sf)  }
0xd1: {  	s8 =	sadd.s32 $0x80, s8;
	s12 =	sand.u32 $0x1FFFFFF0, s12;
	s13 =	sshll.u32 s13, $0x4  }
.Ltmp2:
0xd2: {  	s12 =	sadd.s32 s4, s12;
	s13 =	sand.u32 $0x1FFFFFF0, s13;
	(pc) =	sbr.rel @p0 .LBB2_6-.Ltmp2, $4  }
0xd3: {  	[tilespmem:s8], [sflag:$0x3] =	stream.linear.gather [hbm4b:s12+s3], $0x80, $0x38;
	[tilespmem:$0x18400] =	vst v63  }
0xd4: {  	s9 =	sadd.s32 $0x80, s9;
	s12 =	sand.u32 $0xF0, s11;
	s13 =	sadd.s32 s6, s13  }
0xd5: {  	[tilespmem:s9], [sflag:$0x4] =	stream.linear.gather [hbm4b:s13+s3], $0x80, $0x38;
	[tilespmem:$0x18400] =	vst v63  }
0xd6: {  	s11 =	sadd.s32 $0x1, s11;
	v1 =	vld [tilespmem:s12+$0x100]  }
0xd7: {  	v2 =	vld [tilespmem:s12+$0x300]  }
0xd8: {  	s10 =	sand.u32 $0xF, s10  }
0xd9: {  	v3 =	vmov s10  }
0xda: {  	vm0 =	veq.s32 v3, v0  }
0xdb: {  	v1 =	vnsel vm0, $0x0, v1  }
0xdc: {  	v2 =	vnsel vm0, $0x0, v2;
	(xrf0) =	vadd.scan.msk.s32 $0xffff, v1  }
0xdd: {  	(xrf0) =	vadd.scan.msk.s32 $0xffff, v2;
	_ =	sdelay $0x4  }
0xde: {  	v1, _, _ =	vpop (xrf0)  }
0xdf: {  	(v2sf) =	vpush v1, $0xF;
	v1, _, _ =	vpop (xrf0)  }
0xe0: {  	(v2sf) =	vpush v1, $0xF;
	_ =	sdelay $0xd  }
0xe1: {  	s12 =	spop (v2sf)  }
0xe2: {  	s10 =	sshll.u32 s12, $0x4;
	s11 =	spop (v2sf)  }
0xe3: {  	s10 =	sand.u32 $0x1FFFFFF0, s10;
	s11 =	sshll.u32 s11, $0x4  }
0xe4: {  	s8 =	sadd.s32 $0x80, s8;
	s10 =	sadd.s32 s4, s10;
	s11 =	sand.u32 $0x1FFFFFF0, s11  }
0xe5: {  	[tilespmem:s8], [sflag:$0x3] =	stream.linear.gather [hbm4b:s10+s3], $0x80, $0x38;
	[tilespmem:$0x18400] =	vst v63  }
0xe6: {  	s9 =	sadd.s32 $0x80, s9;
	s13 =	sadd.s32 s6, s11  }
0xe7: {  	[tilespmem:s9], [sflag:$0x4] =	stream.linear.gather [hbm4b:s13+s3], $0x80, $0x38;
	[tilespmem:$0x18400] =	vst v63  }
0xe8: {  	_ =	swait.ge [sflag:s31], $0x80  }
0xe9: {  	[sflag:s31] =	ssyncset.done $0x0  }
0xea: {  	[sflag:s31] =	ssyncadd.s32 $0xFFFFFF80  }
0xeb: {  	_ =	swait.ge [sflag:s0], $0x80  }
0xec: {  	s8 =	simm.s32 $0xFF;
	[sflag:s0] =	ssyncset.done $0x0  }
.LBB2_8:
0xed: {  	p0 =	sne.s32 s8, $0x1;
	s8 =	sadd.s32 $0xFFFFFFFF, s8;
	[sflag:s0] =	ssyncadd.s32 $0xFFFFFF80  }
.Ltmp3:
0xee: {  	_ =	swait.ge [sflag:s31], $0x80;
	(pc) =	sbr.rel @p0 .LBB2_8-.Ltmp3, $4  }
0xef: {  	[sflag:s31] =	ssyncset.done $0x0  }
0xf0: {  	[sflag:s31] =	ssyncadd.s32 $0xFFFFFF80  }
0xf1: {  	_ =	swait.ge [sflag:s0], $0x80  }
0xf2: {  	[sflag:s0] =	ssyncset.done $0x0  }
0xf3: {  	[sflag:s0] =	ssyncadd.s32 $0xFFFFFF80  }
0xf4: {  	[hbm4b:s19+s3] =	stream.linear.scatter [tilespmem:s5], [sflag:$0x5], $0x8000, $0x38;
	[tilespmem:$0x18400] =	vst v63  }
0xf5: {  	s7 =	sadd.s32 $0x1, s7;
	_ =	swait.ge [sflag:s22], $0x8000  }
0xf6: {  	p0 =	sne.s32 s7, s21;
	[sflag:s22] =	ssyncset.done $0x0  }
.Ltmp4:
0xf7: {  	[sflag:s22] =	ssyncadd.s32 $0xFFFF8000;
	(pc) =	sbr.rel @p0 .LBB2_1-.Ltmp4, $4  }
0xf8: {  	[hbm4b:s20+s3] =	stream.linear.scatter [tilespmem:s30], [sflag:$0x5], $0x8000, $0x38;
	[tilespmem:$0x18400] =	vst v63  }
0xf9: {  	_ =	swait.ge [sflag:s22], $0x8000  }
0xfa: {  	[sflag:s22] =	ssyncset.done $0x0  }
0xfb: {  	[sflag:s22] =	ssyncadd.s32 $0xFFFF8000  }
0xfc: {  	_ =	sfence.sel $0x180000  }
0xfd: {  	[bflag:$0x0] =	sbarrier.arrive $0xFFFF  }
0xfe: {  	_ =	strace $0x90000047  }
0xff: {  	s0 =	stileid.u32;
	[bflag:$0x2] =	sbarrier.arrive $0xFFFF  }
0x100: {  	p0 =	sne.s32 s0, $0x0;
	s0 =	rddreg [dreg:$0x5]  }
0x101: {  	s0 =	sadd.s32 @!p0 $0x100000, s0  }
0x102: {  	[sflag:s0] =	ssyncadd.tile.s32 @!p0 $0x1;
	_ =	shalt  }
.Lfunc_end2:
_tile_overlayer_lowered:
.L_overlay_start_2:
0x103: {  	(tag) =	ssettag $0x2  }
0x104: {  	s0 =	rddreg [dreg:$0x0];
	s2 =	stileid.u32  }
0x105: {  	s1 =	rddreg [dreg:$0x1];
	p0 =	sne.s32 s2, $0x0  }
0x106: {  	s3 =	rddreg [dreg:$0x2];
	[bflag:$0x3] =	sbarrier.arrive $0xFFFF;
	s2 =	simm.s32 @!p0 $0x1C05  }
0x107: {  	[timem:s3], [sflag:s2] =	dma.local @!p0 [hbm:s0], s1  }
0x108: {  	s0 =	simm.s32 @!p0 $0x5  }
0x109: {  	_ =	swait.ge @!p0 [sflag:s0], s1  }
0x10a: {  	s1 =	ssub.s32 @!p0 $0x0, s1;
	[sflag:s0] =	ssyncset.done @!p0 $0x0  }
0x10b: {  	[sflag:s0] =	ssyncadd.s32 @!p0 s1  }
0x10c: {  	[bflag:$0x3] =	sbarrier.arrive $0xFFFF  }
0x10d: {  	_ =	shalt  }

</sc_bundles>
